<compile_context>
chip_gen: v7x
topology: tpu7x:2x2x1
jax: 0.10.2.dev20260603
libtpu: 0.0.44.dev20260713+nightly
codegen_flags: <defaults>
</compile_context>

<pallas_src>
import functools

import jax
import jax.numpy as jnp
from jax import lax
from jax.experimental import pallas as pl
from jax.experimental.pallas import tpu as pltpu
from jax.experimental.pallas import tpu_sc as plsc

B, N, C, M = 4, 8192, 64, 2048
R0SQ = 0.8 * 0.8
R1SQ = 1.6 * 1.6
K0, K1 = 16, 32
TW = 80
GW = 128

NC, NS = 2, 16
NW = NC * NS
CPW = (B * M) // NW
WPB = NW // B
GCHUNK = 128

_mesh = plsc.VectorSubcoreMesh(core_axis_name="c", subcore_axis_name="s")


def _scal(v):
    return v[0] if v.ndim else v


UNROLL = 8


@functools.partial(
    pl.kernel,
    out_type=(
        jax.ShapeDtypeStruct((B * M, K0), jnp.int32),
        jax.ShapeDtypeStruct((B * M, K1), jnp.int32),
        jax.ShapeDtypeStruct((B, M), jnp.float32),
        jax.ShapeDtypeStruct((B, M), jnp.float32),
        jax.ShapeDtypeStruct((B, M), jnp.float32),
    ),
    mesh=_mesh,
    compiler_params=pltpu.CompilerParams(needs_layout_passes=False),
    scratch_types=[
        pltpu.VMEM((N,), jnp.float32),
        pltpu.VMEM((N,), jnp.float32),
        pltpu.VMEM((N,), jnp.float32),
        pltpu.VMEM((CPW,), jnp.int32),
        pltpu.VMEM((CPW + 16,), jnp.float32),
        pltpu.VMEM((CPW + 16,), jnp.float32),
        pltpu.VMEM((CPW + 16,), jnp.float32),
        pltpu.VMEM((CPW, K0), jnp.int32),
        pltpu.VMEM((CPW, K1), jnp.int32),
        pltpu.VMEM((160,), jnp.int32),
        pltpu.VMEM((160,), jnp.int32),
        pltpu.SMEM((2,), jnp.int32),
    ],
)
def _select(x_hbm, y_hbm, z_hbm, ind_hbm,
            idx0_hbm, idx1_hbm, cx_hbm, cy_hbm, cz_hbm,
            x_v, y_v, z_v, ind_v, cx_v, cy_v, cz_v, o0_v, o1_v, s0_v, s1_v, cnt_s):
    wid = lax.axis_index("s") * NC + lax.axis_index("c")
    b = wid // WPB
    mbase = (wid % WPB) * CPW
    gbase = b * M + mbase

    pltpu.sync_copy(x_hbm.at[b], x_v)
    pltpu.sync_copy(y_hbm.at[b], y_v)
    pltpu.sync_copy(z_hbm.at[b], z_v)
    pltpu.sync_copy(ind_hbm.at[b, pl.ds(mbase, CPW)], ind_v)

    def _centroid_coords(i, _):
        iv = ind_v[pl.ds(i * 16, 16)]
        cx_v[pl.ds(i * 16, 16)] = plsc.load_gather(x_v, [iv])
        cy_v[pl.ds(i * 16, 16)] = plsc.load_gather(y_v, [iv])
        cz_v[pl.ds(i * 16, 16)] = plsc.load_gather(z_v, [iv])
        return None

    lax.fori_loop(0, CPW // 16, _centroid_coords, None)

    ks16 = lax.iota(jnp.int32, 16)
    bN = b * N

    def _per_centroid(m, _):
        cx = cx_v[pl.ds(m, 16)][0]
        cy = cy_v[pl.ds(m, 16)][0]
        cz = cz_v[pl.ds(m, 16)][0]

        def _cond(state):
            off, c0, c1 = state
            return (off < N) & ((c0 < K0) | (c1 < K1))

        def _body(state):
            off, c0, c1 = state
            d2s, nvs = [], []
            for u in range(UNROLL):
                dx = x_v[pl.ds(off + u * 16, 16)] - cx
                dy = y_v[pl.ds(off + u * 16, 16)] - cy
                dz = z_v[pl.ds(off + u * 16, 16)] - cz
                d2s.append(dx * dx + dy * dy + dz * dz)
                nvs.append(ks16 + (off + u * 16))
            cnt_s[0] = c0
            cnt_s[1] = c1

            @pl.when(c0 < K0)
            def _():
                o = c0
                for u in range(UNROLL):
                    m0 = d2s[u] < R0SQ
                    plsc.store_compressed(s0_v.at[pl.ds(o, 16)], nvs[u], mask=m0)
                    o = o + _scal(plsc.all_reduce_population_count(m0))
                cnt_s[0] = o

            @pl.when(c1 < K1)
            def _():
                o = c1
                for u in range(UNROLL):
                    m1 = d2s[u] < R1SQ
                    plsc.store_compressed(s1_v.at[pl.ds(o, 16)], nvs[u], mask=m1)
                    o = o + _scal(plsc.all_reduce_population_count(m1))
                cnt_s[1] = o

            return off + UNROLL * 16, cnt_s[0], cnt_s[1]

        _off, c0, c1 = lax.while_loop(_cond, _body, (jnp.int32(0), jnp.int32(0), jnp.int32(0)))

        s0_row = s0_v[pl.ds(0, 16)]
        s1_rowa = s1_v[pl.ds(0, 16)]
        s1_rowb = s1_v[pl.ds(16, 16)]
        pad0 = jnp.where(c0 > 0, s0_row[0], 0) + bN
        pad1 = jnp.where(c1 > 0, s1_rowa[0], 0) + bN
        o0_v[m, :] = jnp.where(ks16 < c0, s0_row + bN, pad0)
        o1_v[m, pl.ds(0, 16)] = jnp.where(ks16 < c1, s1_rowa + bN, pad1)
        o1_v[m, pl.ds(16, 16)] = jnp.where(ks16 + 16 < c1, s1_rowb + bN, pad1)
        return None

    lax.fori_loop(0, CPW, _per_centroid, None)

    pltpu.sync_copy(o0_v, idx0_hbm.at[pl.ds(gbase, CPW)])
    pltpu.sync_copy(o1_v, idx1_hbm.at[pl.ds(gbase, CPW)])
    pltpu.sync_copy(cx_v.at[pl.ds(0, CPW)], cx_hbm.at[b, pl.ds(mbase, CPW)])
    pltpu.sync_copy(cy_v.at[pl.ds(0, CPW)], cy_hbm.at[b, pl.ds(mbase, CPW)])
    pltpu.sync_copy(cz_v.at[pl.ds(0, CPW)], cz_hbm.at[b, pl.ds(mbase, CPW)])


NCH0 = B * M * K0 // NW // GCHUNK
NCH1 = B * M * K1 // NW // GCHUNK


def _ring_gather(t_hbm, idx_v, out_hbm, chbase, nch, buf0, buf1, sem0, sem1):
    pltpu.async_copy(t_hbm.at[idx_v.at[0]], buf0, sem0)

    def _body(jj, _):
        j = jj * 2
        pltpu.async_copy(t_hbm.at[idx_v.at[j + 1]], buf1, sem1)
        pltpu.make_async_copy(out_hbm.at[pl.ds(0, GCHUNK), pl.ds(0, TW)], buf0, sem0).wait()
        pltpu.sync_copy(buf0, out_hbm.at[pl.ds((chbase + j) * GCHUNK, GCHUNK), pl.ds(0, TW)])

        @pl.when(j + 2 < nch)
        def _():
            pltpu.async_copy(t_hbm.at[idx_v.at[j + 2]], buf0, sem0)

        pltpu.make_async_copy(out_hbm.at[pl.ds(0, GCHUNK), pl.ds(0, TW)], buf1, sem1).wait()
        pltpu.sync_copy(buf1, out_hbm.at[pl.ds((chbase + j + 1) * GCHUNK, GCHUNK), pl.ds(0, TW)])
        return None

    lax.fori_loop(0, nch // 2, _body, None)


def _make_gather(rows, nch):
    @functools.partial(
        pl.kernel,
        out_type=jax.ShapeDtypeStruct((rows, GW), jnp.float32),
        mesh=_mesh,
        compiler_params=pltpu.CompilerParams(
            needs_layout_passes=False, use_tc_tiling_on_sc=False),
        scratch_types=[
            pltpu.VMEM((nch, GCHUNK), jnp.int32),
            pltpu.VMEM((GCHUNK, TW), jnp.float32),
            pltpu.VMEM((GCHUNK, TW), jnp.float32),
            pltpu.SemaphoreType.DMA,
            pltpu.SemaphoreType.DMA,
        ],
    )
    def _gather(t_hbm, idx_hbm, out_hbm, idx_v, buf0, buf1, sem0, sem1):
        wid = lax.axis_index("s") * NC + lax.axis_index("c")
        pltpu.sync_copy(idx_hbm.at[pl.ds(wid * nch, nch)], idx_v)
        _ring_gather(t_hbm, idx_v, out_hbm, wid * nch, nch, buf0, buf1, sem0, sem1)

    return _gather


_gather0 = _make_gather(B * M * K0, NCH0)
_gather1 = _make_gather(B * M * K1, NCH1)


def _make_mlp(k, c1, c2, tm):
    tmk = tm * k

    def _body(g_ref, c_ref, w1_ref, w1x_ref, b1_ref, w2_ref, b2_ref, o_ref):
        g = g_ref[:, pl.ds(0, TW)]
        h = lax.dot_general(g, w1_ref[...], (((1,), (1,)), ((), ())),
                            preferred_element_type=jnp.float32)
        q = b1_ref[...] - lax.dot_general(c_ref[...], w1x_ref[...], (((1,), (0,)), ((), ())),
                                          preferred_element_type=jnp.float32)
        h = jnp.maximum(h.reshape(tm, k, c1) + q[:, None, :], 0.0)
        h = lax.dot_general(h, w2_ref[...], (((2,), (1,)), ((), ())),
                            preferred_element_type=jnp.float32)
        h = jnp.maximum(h + b2_ref[...][None, :, :], 0.0)
        o_ref[...] = jnp.max(h, axis=1)

    grid = (B * M) // tm

    def _run(g, c8, w1p, w1x, b1r, w2, b2r):
        return pl.pallas_call(
            _body,
            grid=(grid,),
            in_specs=[
                pl.BlockSpec((tmk, GW), lambda i: (i, 0)),
                pl.BlockSpec((tm, 8), lambda i: (i, 0)),
                pl.BlockSpec((c1, TW), lambda i: (0, 0)),
                pl.BlockSpec((8, c1), lambda i: (0, 0)),
                pl.BlockSpec((1, c1), lambda i: (0, 0)),
                pl.BlockSpec((c2, c1), lambda i: (0, 0)),
                pl.BlockSpec((1, c2), lambda i: (0, 0)),
            ],
            out_specs=pl.BlockSpec((tm, c2), lambda i: (i, 0)),
            out_shape=jax.ShapeDtypeStruct((B * M, c2), jnp.float32),
        )(g, c8, w1p, w1x, b1r, w2, b2r)

    return _run


_mlp0 = _make_mlp(K0, 64, 128, 512)
_mlp1 = _make_mlp(K1, 128, 256, 256)


def _pad_w1(w):
    o = w.shape[0]
    return jnp.concatenate([w, jnp.zeros((o, TW - w.shape[1]), jnp.float32)], axis=1)


def _w1_xyz(w):
    o = w.shape[0]
    return jnp.concatenate([w[:, :3].T, jnp.zeros((5, o), jnp.float32)], axis=0)


def kernel(points_xyz, features, indices, w0_0, b0_0, w0_1, b0_1, w1_0, b1_0, w1_1, b1_1):
    ind32 = indices.astype(jnp.int32)
    xs = points_xyz[:, :, 0]
    ys = points_xyz[:, :, 1]
    zs = points_xyz[:, :, 2]

    idx0, idx1, cx, cy, cz = _select(xs, ys, zs, ind32)

    feat_t = jnp.transpose(features, (0, 2, 1))
    table = jnp.concatenate(
        [points_xyz, feat_t, jnp.zeros((B, N, TW - 3 - C), jnp.float32)], axis=-1
    ).reshape(B * N, TW)

    g1 = _gather1(table, idx1.reshape(-1, GCHUNK))
    g0 = _gather0(table, idx0.reshape(-1, GCHUNK))

    new_xyz = jnp.stack([cx, cy, cz], axis=-1)
    c8 = jnp.concatenate(
        [new_xyz.reshape(B * M, 3), jnp.zeros((B * M, 5), jnp.float32)], axis=-1
    )
    out1 = _mlp1(g1, c8, _pad_w1(w1_0), _w1_xyz(w1_0), b1_0.reshape(1, -1),
                 w1_1, b1_1.reshape(1, -1))
    out0 = _mlp0(g0, c8, _pad_w1(w0_0), _w1_xyz(w0_0), b0_0.reshape(1, -1),
                 w0_1, b0_1.reshape(1, -1))

    new_features = jnp.transpose(
        jnp.concatenate([out0.reshape(B, M, -1), out1.reshape(B, M, -1)], axis=-1),
        (0, 2, 1),
    )
    return new_xyz, new_features, indices

# --- scband reference (transcript-rebuilt; emitter-appended) ---
"""Pipeline reference for scband-base-point-samodule-69913477644729 (READ-ONLY COPY).

The authoritative reference and input builder live on the scoring server;
editing this copy changes nothing except your own understanding.
"""

import jax, jax.numpy as jnp
import numpy as np

B, N, C, M = 4, 8192, 64, 2048
RADII = [0.8, 1.6]
NSAMPLE = [16, 32]
MLPS = [[67, 64, 128], [67, 128, 256]]


def setup_inputs(seed: int = 0):
    key = jax.random.key(seed)
    k0, k1, k2, kw = jax.random.split(key, 4)
    inp = {
        "points_xyz": jax.random.normal(k0, (B, N, 3), dtype=jnp.float32),
        "features": jax.random.normal(k1, (B, C, N), dtype=jnp.float32),
        "indices": jax.random.randint(k2, (B, M), 0, N),
    }
    for i, ch in enumerate(MLPS):
        for l in range(len(ch) - 1):
            kw = jax.random.fold_in(kw, i * 10 + l)
            inp[f"w{i}_{l}"] = jax.random.normal(kw, (ch[l + 1], ch[l]), dtype=jnp.float32) * (1.0 / np.sqrt(ch[l]))
            inp[f"b{i}_{l}"] = jnp.zeros((ch[l + 1],), dtype=jnp.float32)
    return inp


def _ball_group(xyz, new_xyz, feat_t, radius, nsample):
    # xyz: (B, N, 3), new_xyz: (B, M, 3), feat_t: (B, N, C)
    b, n, _ = xyz.shape
    d2 = jnp.sum((new_xyz[:, :, None, :] - xyz[:, None, :, :]) ** 2, axis=-1)  # (B, M, N)
    within = d2 < radius * radius
    cand = jnp.where(within, jnp.arange(n)[None, None, :], n)
    cand = jnp.sort(cand, axis=-1)[..., :nsample]
    first = cand[..., :1]
    idx = jnp.where(cand == n, first, cand)
    idx = jnp.where(idx == n, 0, idx)  # (B, M, K)
    bidx = jnp.arange(b)[:, None, None]
    gxyz = xyz[bidx, idx] - new_xyz[:, :, None, :]  # relative coords (B, M, K, 3)
    gfeat = feat_t[bidx, idx]  # (B, M, K, C)
    return jnp.concatenate([gxyz, gfeat], axis=-1)  # use_xyz=True -> (B, M, K, 3+C)


def reference(points_xyz, features, indices, w0_0, b0_0, w0_1, b0_1, w1_0, b1_0, w1_1, b1_1):
    bidx = jnp.arange(points_xyz.shape[0])[:, None]
    # _sample_points with indices provided: gather sampled centroids
    new_xyz = points_xyz[bidx, indices]  # (B, M, 3)
    feat_t = jnp.transpose(features, (0, 2, 1))  # (B, N, C)
    params = [[(w0_0, b0_0), (w0_1, b0_1)], [(w1_0, b1_0), (w1_1, b1_1)]]
    outs = []
    for radius, nsample, layers in zip(RADII, NSAMPLE, params):
        h = _ball_group(points_xyz, new_xyz, feat_t, radius, nsample)
        # shared MLP (1x1 Conv2d + ReLU per layer; BN identity at init)
        for (w, bb) in layers:
            h = jax.nn.relu(jnp.einsum('bmkc,oc->bmko', h, w) + bb)
        # max pooling over the K neighbor axis
        outs.append(jnp.max(h, axis=2))  # (B, M, C_out_i)
    new_features = jnp.transpose(jnp.concatenate(outs, axis=-1), (0, 2, 1))  # (B, 384, M)
    return new_xyz, new_features, indices

if __name__ == "__main__":
    import jax
    _d = setup_inputs()
    print(jax.jit(kernel)(*tuple(_d.values())))

</pallas_src>

<mosaic_0001>
#map = affine_map<(d0, d1) -> (0, 0)>
module attributes {stable_mosaic.version = 14 : i64} {
  func.func @_select(%arg0: i32, %arg1: i32, %arg2: memref<4x8192xf32, #tpu.memory_space<hbm>>, %arg3: memref<4x8192xf32, #tpu.memory_space<hbm>>, %arg4: memref<4x8192xf32, #tpu.memory_space<hbm>>, %arg5: memref<4x2048xi32, #tpu.memory_space<hbm>>, %arg6: memref<8192x16xi32, #tpu.memory_space<hbm>>, %arg7: memref<8192x32xi32, #tpu.memory_space<hbm>>, %arg8: memref<4x2048xf32, #tpu.memory_space<hbm>>, %arg9: memref<4x2048xf32, #tpu.memory_space<hbm>>, %arg10: memref<4x2048xf32, #tpu.memory_space<hbm>>, %arg11: memref<8192xf32, #tpu.memory_space<vmem>>, %arg12: memref<8192xf32, #tpu.memory_space<vmem>>, %arg13: memref<8192xf32, #tpu.memory_space<vmem>>, %arg14: memref<256xi32, #tpu.memory_space<vmem>>, %arg15: memref<272xf32, #tpu.memory_space<vmem>>, %arg16: memref<272xf32, #tpu.memory_space<vmem>>, %arg17: memref<272xf32, #tpu.memory_space<vmem>>, %arg18: memref<256x16xi32, #tpu.memory_space<vmem>>, %arg19: memref<256x32xi32, #tpu.memory_space<vmem>>, %arg20: memref<160xi32, #tpu.memory_space<vmem>>, %arg21: memref<160xi32, #tpu.memory_space<vmem>>, %arg22: memref<2xi32, #tpu.memory_space<smem>>) attributes {dimension_semantics = [#tpu.dimension_semantics<core_parallel>, #tpu.dimension_semantics<subcore_parallel>], iteration_bounds = array<i64: 2, 16>, scalar_prefetch = 0 : i64, scratch_operands = 12 : i64, tpu.core_type = #tpu.core_type<sc_vector_subcore>, window_params = [{transform_indices = #map}, {transform_indices = #map}, {transform_indices = #map}, {transform_indices = #map}, {transform_indices = #map}, {transform_indices = #map}, {transform_indices = #map}, {transform_indices = #map}, {transform_indices = #map}]} {
    %mul3A = arith.constant 2 : i32
    %mul3A_0 = arith.muli %arg1, %mul3A : i32
    %add3A = arith.addi %mul3A_0, %arg0 : i32
    %jit3A = arith.constant 8 : i32
    %div3A = arith.divsi %add3A, %jit3A : i32
    %sign3A = arith.constant 0 : i32
    %sign3A_1 = arith.cmpi sgt, %add3A, %sign3A : i32
    %sign3A_2 = arith.extui %sign3A_1 : i1 to i32
    %sign3A_3 = arith.constant 0 : i32
    %sign3A_4 = arith.cmpi slt, %add3A, %sign3A_3 : i32
    %sign3A_5 = arith.extui %sign3A_4 : i1 to i32
    %sign3A_6 = arith.subi %sign3A_2, %sign3A_5 : i32
    %sign3A_7 = arith.constant 0 : i32
    %sign3A_8 = arith.cmpi sgt, %jit3A, %sign3A_7 : i32
    %sign3A_9 = arith.extui %sign3A_8 : i1 to i32
    %sign3A_10 = arith.constant 0 : i32
    %sign3A_11 = arith.cmpi slt, %jit3A, %sign3A_10 : i32
    %sign3A_12 = arith.extui %sign3A_11 : i1 to i32
    %sign3A_13 = arith.subi %sign3A_9, %sign3A_12 : i32
    %ne3A = arith.cmpi ne, %sign3A_6, %sign3A_13 : i32
    %rem3A = arith.remsi %add3A, %jit3A : i32
    %ne3A_14 = arith.constant 0 : i32
    %ne3A_15 = arith.cmpi ne, %rem3A, %ne3A_14 : i32
    %and3A = arith.andi %ne3A, %ne3A_15 : i1
    %sub3A = arith.constant 1 : i32
    %sub3A_16 = arith.subi %div3A, %sub3A : i32
    %select_n3A = arith.select %and3A, %sub3A_16, %div3A : i32
    %jit3A_17 = arith.constant 8 : i32
    %eq3A = arith.constant 0 : i32
    %eq3A_18 = arith.cmpi eq, %jit3A_17, %eq3A : i32
    %jit3A_19 = arith.constant 1 : i32
    %select_n3A_20 = arith.select %eq3A_18, %jit3A_19, %jit3A_17 : i32
    %rem3A_21 = arith.remsi %add3A, %select_n3A_20 : i32
    %ne3A_22 = arith.constant 0 : i32
    %ne3A_23 = arith.cmpi ne, %rem3A_21, %ne3A_22 : i32
    %lt3A = arith.constant 0 : i32
    %lt3A_24 = arith.cmpi slt, %rem3A_21, %lt3A : i32
    %lt3A_25 = arith.constant 0 : i32
    %lt3A_26 = arith.cmpi slt, %select_n3A_20, %lt3A_25 : i32
    %ne3A_27 = arith.xori %lt3A_24, %lt3A_26 : i1
    %and3A_28 = arith.andi %ne3A_27, %ne3A_23 : i1
    %add3A_29 = arith.addi %rem3A_21, %select_n3A_20 : i32
    %select_n3A_30 = arith.select %and3A_28, %add3A_29, %rem3A_21 : i32
    %mul3A_31 = arith.constant 256 : i32
    %mul3A_32 = arith.muli %select_n3A_30, %mul3A_31 : i32
    %mul3A_33 = arith.constant 2048 : i32
    %mul3A_34 = arith.muli %select_n3A, %mul3A_33 : i32
    %add3A_35 = arith.addi %mul3A_34, %mul3A_32 : i32
    "tpu.region"() ({
      %run_scoped3A = tpu.sem_alloc : memref<!tpu.dma_semaphore, #tpu.memory_space<semaphore_mem>>
      %dma_start3A = arith.constant 0 : i32
      %dma_start3A_47 = tpu.memref_slice %arg2[%select_n3A, %dma_start3A] : memref<4x8192xf32, #tpu.memory_space<hbm>> -> memref<1x8192xf32, #tpu.memory_space<hbm>>
      %dma_start3A_48 = tpu.memref_squeeze %dma_start3A_47 : memref<1x8192xf32, #tpu.memory_space<hbm>> -> memref<8192xf32, #tpu.memory_space<hbm>>
      %dma_start3A_49 = arith.constant 0 : i32
      %dma_start3A_50 = tpu.memref_slice %arg2[%select_n3A, %dma_start3A_49] : memref<4x8192xf32, #tpu.memory_space<hbm>> -> memref<1x8192xf32, #tpu.memory_space<hbm>>
      %dma_start3A_51 = tpu.memref_squeeze %dma_start3A_50 : memref<1x8192xf32, #tpu.memory_space<hbm>> -> memref<8192xf32, #tpu.memory_space<hbm>>
      tpu.enqueue_dma source(%dma_start3A_51 : memref<8192xf32, #tpu.memory_space<hbm>>) target(%arg11 : memref<8192xf32, #tpu.memory_space<vmem>>) target_semaphore(%run_scoped3A : memref<!tpu.dma_semaphore, #tpu.memory_space<semaphore_mem>>)
      %dma_wait3A = arith.constant 0 : i32
      %dma_wait3A_52 = tpu.memref_slice %arg2[%select_n3A, %dma_wait3A] : memref<4x8192xf32, #tpu.memory_space<hbm>> -> memref<1x8192xf32, #tpu.memory_space<hbm>>
      %dma_wait3A_53 = tpu.memref_squeeze %dma_wait3A_52 : memref<1x8192xf32, #tpu.memory_space<hbm>> -> memref<8192xf32, #tpu.memory_space<hbm>>
      %dma_wait3A_54 = arith.constant 0 : i32
      %dma_wait3A_55 = tpu.memref_slice %arg2[%select_n3A, %dma_wait3A_54] : memref<4x8192xf32, #tpu.memory_space<hbm>> -> memref<1x8192xf32, #tpu.memory_space<hbm>>
      %dma_wait3A_56 = tpu.memref_squeeze %dma_wait3A_55 : memref<1x8192xf32, #tpu.memory_space<hbm>> -> memref<8192xf32, #tpu.memory_space<hbm>>
      tpu.wait_dma2 semaphore(%run_scoped3A : memref<!tpu.dma_semaphore, #tpu.memory_space<semaphore_mem>>) src(%dma_wait3A_56 : memref<8192xf32, #tpu.memory_space<hbm>>) dst(%arg11 : memref<8192xf32, #tpu.memory_space<vmem>>)
      tpu.yield
    }) : () -> ()
    "tpu.region"() ({
      %run_scoped3A = tpu.sem_alloc : memref<!tpu.dma_semaphore, #tpu.memory_space<semaphore_mem>>
      %dma_start3A = arith.constant 0 : i32
      %dma_start3A_47 = tpu.memref_slice %arg3[%select_n3A, %dma_start3A] : memref<4x8192xf32, #tpu.memory_space<hbm>> -> memref<1x8192xf32, #tpu.memory_space<hbm>>
      %dma_start3A_48 = tpu.memref_squeeze %dma_start3A_47 : memref<1x8192xf32, #tpu.memory_space<hbm>> -> memref<8192xf32, #tpu.memory_space<hbm>>
      %dma_start3A_49 = arith.constant 0 : i32
      %dma_start3A_50 = tpu.memref_slice %arg3[%select_n3A, %dma_start3A_49] : memref<4x8192xf32, #tpu.memory_space<hbm>> -> memref<1x8192xf32, #tpu.memory_space<hbm>>
      %dma_start3A_51 = tpu.memref_squeeze %dma_start3A_50 : memref<1x8192xf32, #tpu.memory_space<hbm>> -> memref<8192xf32, #tpu.memory_space<hbm>>
      tpu.enqueue_dma source(%dma_start3A_51 : memref<8192xf32, #tpu.memory_space<hbm>>) target(%arg12 : memref<8192xf32, #tpu.memory_space<vmem>>) target_semaphore(%run_scoped3A : memref<!tpu.dma_semaphore, #tpu.memory_space<semaphore_mem>>)
      %dma_wait3A = arith.constant 0 : i32
      %dma_wait3A_52 = tpu.memref_slice %arg3[%select_n3A, %dma_wait3A] : memref<4x8192xf32, #tpu.memory_space<hbm>> -> memref<1x8192xf32, #tpu.memory_space<hbm>>
      %dma_wait3A_53 = tpu.memref_squeeze %dma_wait3A_52 : memref<1x8192xf32, #tpu.memory_space<hbm>> -> memref<8192xf32, #tpu.memory_space<hbm>>
      %dma_wait3A_54 = arith.constant 0 : i32
      %dma_wait3A_55 = tpu.memref_slice %arg3[%select_n3A, %dma_wait3A_54] : memref<4x8192xf32, #tpu.memory_space<hbm>> -> memref<1x8192xf32, #tpu.memory_space<hbm>>
      %dma_wait3A_56 = tpu.memref_squeeze %dma_wait3A_55 : memref<1x8192xf32, #tpu.memory_space<hbm>> -> memref<8192xf32, #tpu.memory_space<hbm>>
      tpu.wait_dma2 semaphore(%run_scoped3A : memref<!tpu.dma_semaphore, #tpu.memory_space<semaphore_mem>>) src(%dma_wait3A_56 : memref<8192xf32, #tpu.memory_space<hbm>>) dst(%arg12 : memref<8192xf32, #tpu.memory_space<vmem>>)
      tpu.yield
    }) : () -> ()
    "tpu.region"() ({
      %run_scoped3A = tpu.sem_alloc : memref<!tpu.dma_semaphore, #tpu.memory_space<semaphore_mem>>
      %dma_start3A = arith.constant 0 : i32
      %dma_start3A_47 = tpu.memref_slice %arg4[%select_n3A, %dma_start3A] : memref<4x8192xf32, #tpu.memory_space<hbm>> -> memref<1x8192xf32, #tpu.memory_space<hbm>>
      %dma_start3A_48 = tpu.memref_squeeze %dma_start3A_47 : memref<1x8192xf32, #tpu.memory_space<hbm>> -> memref<8192xf32, #tpu.memory_space<hbm>>
      %dma_start3A_49 = arith.constant 0 : i32
      %dma_start3A_50 = tpu.memref_slice %arg4[%select_n3A, %dma_start3A_49] : memref<4x8192xf32, #tpu.memory_space<hbm>> -> memref<1x8192xf32, #tpu.memory_space<hbm>>
      %dma_start3A_51 = tpu.memref_squeeze %dma_start3A_50 : memref<1x8192xf32, #tpu.memory_space<hbm>> -> memref<8192xf32, #tpu.memory_space<hbm>>
      tpu.enqueue_dma source(%dma_start3A_51 : memref<8192xf32, #tpu.memory_space<hbm>>) target(%arg13 : memref<8192xf32, #tpu.memory_space<vmem>>) target_semaphore(%run_scoped3A : memref<!tpu.dma_semaphore, #tpu.memory_space<semaphore_mem>>)
      %dma_wait3A = arith.constant 0 : i32
      %dma_wait3A_52 = tpu.memref_slice %arg4[%select_n3A, %dma_wait3A] : memref<4x8192xf32, #tpu.memory_space<hbm>> -> memref<1x8192xf32, #tpu.memory_space<hbm>>
      %dma_wait3A_53 = tpu.memref_squeeze %dma_wait3A_52 : memref<1x8192xf32, #tpu.memory_space<hbm>> -> memref<8192xf32, #tpu.memory_space<hbm>>
      %dma_wait3A_54 = arith.constant 0 : i32
      %dma_wait3A_55 = tpu.memref_slice %arg4[%select_n3A, %dma_wait3A_54] : memref<4x8192xf32, #tpu.memory_space<hbm>> -> memref<1x8192xf32, #tpu.memory_space<hbm>>
      %dma_wait3A_56 = tpu.memref_squeeze %dma_wait3A_55 : memref<1x8192xf32, #tpu.memory_space<hbm>> -> memref<8192xf32, #tpu.memory_space<hbm>>
      tpu.wait_dma2 semaphore(%run_scoped3A : memref<!tpu.dma_semaphore, #tpu.memory_space<semaphore_mem>>) src(%dma_wait3A_56 : memref<8192xf32, #tpu.memory_space<hbm>>) dst(%arg13 : memref<8192xf32, #tpu.memory_space<vmem>>)
      tpu.yield
    }) : () -> ()
    "tpu.region"() ({
      %run_scoped3A = tpu.sem_alloc : memref<!tpu.dma_semaphore, #tpu.memory_space<semaphore_mem>>
      %dma_start3A = tpu.memref_slice %arg5[%select_n3A, %mul3A_32] : memref<4x2048xi32, #tpu.memory_space<hbm>> -> memref<1x256xi32, #tpu.memory_space<hbm>>
      %dma_start3A_47 = tpu.memref_squeeze %dma_start3A : memref<1x256xi32, #tpu.memory_space<hbm>> -> memref<256xi32, #tpu.memory_space<hbm>>
      %dma_start3A_48 = tpu.memref_slice %arg5[%select_n3A, %mul3A_32] : memref<4x2048xi32, #tpu.memory_space<hbm>> -> memref<1x256xi32, #tpu.memory_space<hbm>>
      %dma_start3A_49 = tpu.memref_squeeze %dma_start3A_48 : memref<1x256xi32, #tpu.memory_space<hbm>> -> memref<256xi32, #tpu.memory_space<hbm>>
      tpu.enqueue_dma source(%dma_start3A_49 : memref<256xi32, #tpu.memory_space<hbm>>) target(%arg14 : memref<256xi32, #tpu.memory_space<vmem>>) target_semaphore(%run_scoped3A : memref<!tpu.dma_semaphore, #tpu.memory_space<semaphore_mem>>)
      %dma_wait3A = tpu.memref_slice %arg5[%select_n3A, %mul3A_32] : memref<4x2048xi32, #tpu.memory_space<hbm>> -> memref<1x256xi32, #tpu.memory_space<hbm>>
      %dma_wait3A_50 = tpu.memref_squeeze %dma_wait3A : memref<1x256xi32, #tpu.memory_space<hbm>> -> memref<256xi32, #tpu.memory_space<hbm>>
      %dma_wait3A_51 = tpu.memref_slice %arg5[%select_n3A, %mul3A_32] : memref<4x2048xi32, #tpu.memory_space<hbm>> -> memref<1x256xi32, #tpu.memory_space<hbm>>
      %dma_wait3A_52 = tpu.memref_squeeze %dma_wait3A_51 : memref<1x256xi32, #tpu.memory_space<hbm>> -> memref<256xi32, #tpu.memory_space<hbm>>
      tpu.wait_dma2 semaphore(%run_scoped3A : memref<!tpu.dma_semaphore, #tpu.memory_space<semaphore_mem>>) src(%dma_wait3A_52 : memref<256xi32, #tpu.memory_space<hbm>>) dst(%arg14 : memref<256xi32, #tpu.memory_space<vmem>>)
      tpu.yield
    }) : () -> ()
    %scan3A = arith.constant 0 : i32
    %scan3A_36 = arith.constant 16 : i32
    %scan3A_37 = arith.addi %scan3A, %scan3A_36 : i32
    %scan3A_38 = arith.constant 1 : i32
    scf.for %scan3A_47 = %scan3A to %scan3A_37 step %scan3A_38  : i32 {
      %mul3A_48 = arith.constant 16 : i32
      %mul3A_49 = arith.muli %scan3A_47, %mul3A_48 : i32
      %get3A = arith.index_cast %mul3A_49 : i32 to index
      %get3A_50 = tpu.vector_load %arg14[%get3A] {strides = array<i32>} : memref<256xi32, #tpu.memory_space<vmem>>, vector<16xi32>,
      %gather3A = tpu.vector_load_idx %arg11[%get3A_50] : memref<8192xf32, #tpu.memory_space<vmem>>[vector<16xi32>], vector<16xf32>,
      %mul3A_51 = arith.constant 16 : i32
      %mul3A_52 = arith.muli %scan3A_47, %mul3A_51 : i32
      %swap3A = arith.index_cast %mul3A_52 : i32 to index
      %swap3A_53 = tpu.vector_load %arg15[%swap3A] {strides = array<i32>} : memref<272xf32, #tpu.memory_space<vmem>>, vector<16xf32>,
      tpu.vector_store %arg15[%swap3A], %gather3A {strides = array<i32>} : memref<272xf32, #tpu.memory_space<vmem>>, vector<16xf32>,
      %gather3A_54 = tpu.vector_load_idx %arg12[%get3A_50] : memref<8192xf32, #tpu.memory_space<vmem>>[vector<16xi32>], vector<16xf32>,
      %mul3A_55 = arith.constant 16 : i32
      %mul3A_56 = arith.muli %scan3A_47, %mul3A_55 : i32
      %swap3A_57 = arith.index_cast %mul3A_56 : i32 to index
      %swap3A_58 = tpu.vector_load %arg16[%swap3A_57] {strides = array<i32>} : memref<272xf32, #tpu.memory_space<vmem>>, vector<16xf32>,
      tpu.vector_store %arg16[%swap3A_57], %gather3A_54 {strides = array<i32>} : memref<272xf32, #tpu.memory_space<vmem>>, vector<16xf32>,
      %gather3A_59 = tpu.vector_load_idx %arg13[%get3A_50] : memref<8192xf32, #tpu.memory_space<vmem>>[vector<16xi32>], vector<16xf32>,
      %mul3A_60 = arith.constant 16 : i32
      %mul3A_61 = arith.muli %scan3A_47, %mul3A_60 : i32
      %swap3A_62 = arith.index_cast %mul3A_61 : i32 to index
      %swap3A_63 = tpu.vector_load %arg17[%swap3A_62] {strides = array<i32>} : memref<272xf32, #tpu.memory_space<vmem>>, vector<16xf32>,
      tpu.vector_store %arg17[%swap3A_62], %gather3A_59 {strides = array<i32>} : memref<272xf32, #tpu.memory_space<vmem>>, vector<16xf32>,
    }
    %scan3A_39 = arith.constant 16 : i32
    %iota3A = tpu.iota {dimensions = array<i32: 0>} : vector<16xi32>
    %mul3A_40 = arith.constant 8192 : i32
    %mul3A_41 = arith.muli %select_n3A, %mul3A_40 : i32
    %scan3A_42 = arith.constant 0 : i32
    %scan3A_43 = arith.constant 256 : i32
    %scan3A_44 = arith.addi %scan3A_42, %scan3A_43 : i32
    %scan3A_45 = arith.constant 1 : i32
    scf.for %scan3A_47 = %scan3A_42 to %scan3A_44 step %scan3A_45  : i32 {
      %get3A = arith.index_cast %scan3A_47 : i32 to index
      %get3A_48 = tpu.vector_load %arg15[%get3A] {strides = array<i32>} : memref<272xf32, #tpu.memory_space<vmem>>, vector<16xf32>,
      %slice3A = vector.extract_strided_slice %get3A_48 {offsets = [0], sizes = [1], strides = [1]} : vector<16xf32> to vector<1xf32>
      %squeeze3A = vector.extract %slice3A[0] : f32 from vector<1xf32>
      %get3A_49 = arith.index_cast %scan3A_47 : i32 to index
      %get3A_50 = tpu.vector_load %arg16[%get3A_49] {strides = array<i32>} : memref<272xf32, #tpu.memory_space<vmem>>, vector<16xf32>,
      %slice3A_51 = vector.extract_strided_slice %get3A_50 {offsets = [0], sizes = [1], strides = [1]} : vector<16xf32> to vector<1xf32>
      %squeeze3A_52 = vector.extract %slice3A_51[0] : f32 from vector<1xf32>
      %get3A_53 = arith.index_cast %scan3A_47 : i32 to index
      %get3A_54 = tpu.vector_load %arg17[%get3A_53] {strides = array<i32>} : memref<272xf32, #tpu.memory_space<vmem>>, vector<16xf32>,
      %slice3A_55 = vector.extract_strided_slice %get3A_54 {offsets = [0], sizes = [1], strides = [1]} : vector<16xf32> to vector<1xf32>
      %squeeze3A_56 = vector.extract %slice3A_55[0] : f32 from vector<1xf32>
      %while3A = arith.constant 0 : i32
      %while3A_57 = arith.constant 0 : i32
      %while3A_58 = arith.constant 0 : i32
      %while3A_59:3 = scf.while (%while3A_107 = %while3A, %while3A_108 = %while3A_57, %while3A_109 = %while3A_58) : (i32, i32, i32) -> (i32, i32, i32) {
        %lt3A_110 = arith.constant 8192 : i32
        %lt3A_111 = arith.cmpi slt, %while3A_107, %lt3A_110 : i32
        %lt3A_112 = arith.constant 16 : i32
        %lt3A_113 = arith.cmpi slt, %while3A_108, %lt3A_112 : i32
        %lt3A_114 = arith.constant 32 : i32
        %lt3A_115 = arith.cmpi slt, %while3A_109, %lt3A_114 : i32
        %or3A = arith.ori %lt3A_113, %lt3A_115 : i1
        %and3A_116 = arith.andi %lt3A_111, %or3A : i1
        scf.condition(%and3A_116) %while3A_107, %while3A_108, %while3A_109 : i32, i32, i32
      } do {
      ^bb0(%while3A_107: i32, %while3A_108: i32, %while3A_109: i32):
        %add3A_110 = arith.constant 0 : i32
        %add3A_111 = arith.addi %while3A_107, %add3A_110 : i32
        %get3A_112 = arith.index_cast %add3A_111 : i32 to index
        %get3A_113 = tpu.vector_load %arg11[%get3A_112] {strides = array<i32>} : memref<8192xf32, #tpu.memory_space<vmem>>, vector<16xf32>,
        %sub3A_114 = vector.broadcast %squeeze3A : f32 to vector<16xf32>
        %sub3A_115 = arith.subf %get3A_113, %sub3A_114 : vector<16xf32>
        %add3A_116 = arith.constant 0 : i32
        %add3A_117 = arith.addi %while3A_107, %add3A_116 : i32
        %get3A_118 = arith.index_cast %add3A_117 : i32 to index
        %get3A_119 = tpu.vector_load %arg12[%get3A_118] {strides = array<i32>} : memref<8192xf32, #tpu.memory_space<vmem>>, vector<16xf32>,
        %sub3A_120 = vector.broadcast %squeeze3A_52 : f32 to vector<16xf32>
        %sub3A_121 = arith.subf %get3A_119, %sub3A_120 : vector<16xf32>
        %add3A_122 = arith.constant 0 : i32
        %add3A_123 = arith.addi %while3A_107, %add3A_122 : i32
        %get3A_124 = arith.index_cast %add3A_123 : i32 to index
        %get3A_125 = tpu.vector_load %arg13[%get3A_124] {strides = array<i32>} : memref<8192xf32, #tpu.memory_space<vmem>>, vector<16xf32>,
        %sub3A_126 = vector.broadcast %squeeze3A_56 : f32 to vector<16xf32>
        %sub3A_127 = arith.subf %get3A_125, %sub3A_126 : vector<16xf32>
        %mul3A_128 = arith.mulf %sub3A_115, %sub3A_115 : vector<16xf32>
        %mul3A_129 = arith.mulf %sub3A_121, %sub3A_121 : vector<16xf32>
        %add3A_130 = arith.addf %mul3A_128, %mul3A_129 : vector<16xf32>
        %mul3A_131 = arith.mulf %sub3A_127, %sub3A_127 : vector<16xf32>
        %add3A_132 = arith.addf %add3A_130, %mul3A_131 : vector<16xf32>
        %add3A_133 = arith.constant 0 : i32
        %add3A_134 = arith.addi %while3A_107, %add3A_133 : i32
        %add3A_135 = vector.broadcast %add3A_134 : i32 to vector<16xi32>
        %add3A_136 = arith.addi %iota3A, %add3A_135 : vector<16xi32>
        %add3A_137 = arith.constant 16 : i32
        %add3A_138 = arith.addi %while3A_107, %add3A_137 : i32
        %get3A_139 = arith.index_cast %add3A_138 : i32 to index
        %get3A_140 = tpu.vector_load %arg11[%get3A_139] {strides = array<i32>} : memref<8192xf32, #tpu.memory_space<vmem>>, vector<16xf32>,
        %sub3A_141 = vector.broadcast %squeeze3A : f32 to vector<16xf32>
        %sub3A_142 = arith.subf %get3A_140, %sub3A_141 : vector<16xf32>
        %add3A_143 = arith.constant 16 : i32
        %add3A_144 = arith.addi %while3A_107, %add3A_143 : i32
        %get3A_145 = arith.index_cast %add3A_144 : i32 to index
        %get3A_146 = tpu.vector_load %arg12[%get3A_145] {strides = array<i32>} : memref<8192xf32, #tpu.memory_space<vmem>>, vector<16xf32>,
        %sub3A_147 = vector.broadcast %squeeze3A_52 : f32 to vector<16xf32>
        %sub3A_148 = arith.subf %get3A_146, %sub3A_147 : vector<16xf32>
        %add3A_149 = arith.constant 16 : i32
        %add3A_150 = arith.addi %while3A_107, %add3A_149 : i32
        %get3A_151 = arith.index_cast %add3A_150 : i32 to index
        %get3A_152 = tpu.vector_load %arg13[%get3A_151] {strides = array<i32>} : memref<8192xf32, #tpu.memory_space<vmem>>, vector<16xf32>,
        %sub3A_153 = vector.broadcast %squeeze3A_56 : f32 to vector<16xf32>
        %sub3A_154 = arith.subf %get3A_152, %sub3A_153 : vector<16xf32>
        %mul3A_155 = arith.mulf %sub3A_142, %sub3A_142 : vector<16xf32>
        %mul3A_156 = arith.mulf %sub3A_148, %sub3A_148 : vector<16xf32>
        %add3A_157 = arith.addf %mul3A_155, %mul3A_156 : vector<16xf32>
        %mul3A_158 = arith.mulf %sub3A_154, %sub3A_154 : vector<16xf32>
        %add3A_159 = arith.addf %add3A_157, %mul3A_158 : vector<16xf32>
        %add3A_160 = arith.constant 16 : i32
        %add3A_161 = arith.addi %while3A_107, %add3A_160 : i32
        %add3A_162 = vector.broadcast %add3A_161 : i32 to vector<16xi32>
        %add3A_163 = arith.addi %iota3A, %add3A_162 : vector<16xi32>
        %add3A_164 = arith.constant 32 : i32
        %add3A_165 = arith.addi %while3A_107, %add3A_164 : i32
        %get3A_166 = arith.index_cast %add3A_165 : i32 to index
        %get3A_167 = tpu.vector_load %arg11[%get3A_166] {strides = array<i32>} : memref<8192xf32, #tpu.memory_space<vmem>>, vector<16xf32>,
        %sub3A_168 = vector.broadcast %squeeze3A : f32 to vector<16xf32>
        %sub3A_169 = arith.subf %get3A_167, %sub3A_168 : vector<16xf32>
        %add3A_170 = arith.constant 32 : i32
        %add3A_171 = arith.addi %while3A_107, %add3A_170 : i32
        %get3A_172 = arith.index_cast %add3A_171 : i32 to index
        %get3A_173 = tpu.vector_load %arg12[%get3A_172] {strides = array<i32>} : memref<8192xf32, #tpu.memory_space<vmem>>, vector<16xf32>,
        %sub3A_174 = vector.broadcast %squeeze3A_52 : f32 to vector<16xf32>
        %sub3A_175 = arith.subf %get3A_173, %sub3A_174 : vector<16xf32>
        %add3A_176 = arith.constant 32 : i32
        %add3A_177 = arith.addi %while3A_107, %add3A_176 : i32
        %get3A_178 = arith.index_cast %add3A_177 : i32 to index
        %get3A_179 = tpu.vector_load %arg13[%get3A_178] {strides = array<i32>} : memref<8192xf32, #tpu.memory_space<vmem>>, vector<16xf32>,
        %sub3A_180 = vector.broadcast %squeeze3A_56 : f32 to vector<16xf32>
        %sub3A_181 = arith.subf %get3A_179, %sub3A_180 : vector<16xf32>
        %mul3A_182 = arith.mulf %sub3A_169, %sub3A_169 : vector<16xf32>
        %mul3A_183 = arith.mulf %sub3A_175, %sub3A_175 : vector<16xf32>
        %add3A_184 = arith.addf %mul3A_182, %mul3A_183 : vector<16xf32>
        %mul3A_185 = arith.mulf %sub3A_181, %sub3A_181 : vector<16xf32>
        %add3A_186 = arith.addf %add3A_184, %mul3A_185 : vector<16xf32>
        %add3A_187 = arith.constant 32 : i32
        %add3A_188 = arith.addi %while3A_107, %add3A_187 : i32
        %add3A_189 = vector.broadcast %add3A_188 : i32 to vector<16xi32>
        %add3A_190 = arith.addi %iota3A, %add3A_189 : vector<16xi32>
        %add3A_191 = arith.constant 48 : i32
        %add3A_192 = arith.addi %while3A_107, %add3A_191 : i32
        %get3A_193 = arith.index_cast %add3A_192 : i32 to index
        %get3A_194 = tpu.vector_load %arg11[%get3A_193] {strides = array<i32>} : memref<8192xf32, #tpu.memory_space<vmem>>, vector<16xf32>,
        %sub3A_195 = vector.broadcast %squeeze3A : f32 to vector<16xf32>
        %sub3A_196 = arith.subf %get3A_194, %sub3A_195 : vector<16xf32>
        %add3A_197 = arith.constant 48 : i32
        %add3A_198 = arith.addi %while3A_107, %add3A_197 : i32
        %get3A_199 = arith.index_cast %add3A_198 : i32 to index
        %get3A_200 = tpu.vector_load %arg12[%get3A_199] {strides = array<i32>} : memref<8192xf32, #tpu.memory_space<vmem>>, vector<16xf32>,
        %sub3A_201 = vector.broadcast %squeeze3A_52 : f32 to vector<16xf32>
        %sub3A_202 = arith.subf %get3A_200, %sub3A_201 : vector<16xf32>
        %add3A_203 = arith.constant 48 : i32
        %add3A_204 = arith.addi %while3A_107, %add3A_203 : i32
        %get3A_205 = arith.index_cast %add3A_204 : i32 to index
        %get3A_206 = tpu.vector_load %arg13[%get3A_205] {strides = array<i32>} : memref<8192xf32, #tpu.memory_space<vmem>>, vector<16xf32>,
        %sub3A_207 = vector.broadcast %squeeze3A_56 : f32 to vector<16xf32>
        %sub3A_208 = arith.subf %get3A_206, %sub3A_207 : vector<16xf32>
        %mul3A_209 = arith.mulf %sub3A_196, %sub3A_196 : vector<16xf32>
        %mul3A_210 = arith.mulf %sub3A_202, %sub3A_202 : vector<16xf32>
        %add3A_211 = arith.addf %mul3A_209, %mul3A_210 : vector<16xf32>
        %mul3A_212 = arith.mulf %sub3A_208, %sub3A_208 : vector<16xf32>
        %add3A_213 = arith.addf %add3A_211, %mul3A_212 : vector<16xf32>
        %add3A_214 = arith.constant 48 : i32
        %add3A_215 = arith.addi %while3A_107, %add3A_214 : i32
        %add3A_216 = vector.broadcast %add3A_215 : i32 to vector<16xi32>
        %add3A_217 = arith.addi %iota3A, %add3A_216 : vector<16xi32>
        %add3A_218 = arith.constant 64 : i32
        %add3A_219 = arith.addi %while3A_107, %add3A_218 : i32
        %get3A_220 = arith.index_cast %add3A_219 : i32 to index
        %get3A_221 = tpu.vector_load %arg11[%get3A_220] {strides = array<i32>} : memref<8192xf32, #tpu.memory_space<vmem>>, vector<16xf32>,
        %sub3A_222 = vector.broadcast %squeeze3A : f32 to vector<16xf32>
        %sub3A_223 = arith.subf %get3A_221, %sub3A_222 : vector<16xf32>
        %add3A_224 = arith.constant 64 : i32
        %add3A_225 = arith.addi %while3A_107, %add3A_224 : i32
        %get3A_226 = arith.index_cast %add3A_225 : i32 to index
        %get3A_227 = tpu.vector_load %arg12[%get3A_226] {strides = array<i32>} : memref<8192xf32, #tpu.memory_space<vmem>>, vector<16xf32>,
        %sub3A_228 = vector.broadcast %squeeze3A_52 : f32 to vector<16xf32>
        %sub3A_229 = arith.subf %get3A_227, %sub3A_228 : vector<16xf32>
        %add3A_230 = arith.constant 64 : i32
        %add3A_231 = arith.addi %while3A_107, %add3A_230 : i32
        %get3A_232 = arith.index_cast %add3A_231 : i32 to index
        %get3A_233 = tpu.vector_load %arg13[%get3A_232] {strides = array<i32>} : memref<8192xf32, #tpu.memory_space<vmem>>, vector<16xf32>,
        %sub3A_234 = vector.broadcast %squeeze3A_56 : f32 to vector<16xf32>
        %sub3A_235 = arith.subf %get3A_233, %sub3A_234 : vector<16xf32>
        %mul3A_236 = arith.mulf %sub3A_223, %sub3A_223 : vector<16xf32>
        %mul3A_237 = arith.mulf %sub3A_229, %sub3A_229 : vector<16xf32>
        %add3A_238 = arith.addf %mul3A_236, %mul3A_237 : vector<16xf32>
        %mul3A_239 = arith.mulf %sub3A_235, %sub3A_235 : vector<16xf32>
        %add3A_240 = arith.addf %add3A_238, %mul3A_239 : vector<16xf32>
        %add3A_241 = arith.constant 64 : i32
        %add3A_242 = arith.addi %while3A_107, %add3A_241 : i32
        %add3A_243 = vector.broadcast %add3A_242 : i32 to vector<16xi32>
        %add3A_244 = arith.addi %iota3A, %add3A_243 : vector<16xi32>
        %add3A_245 = arith.constant 80 : i32
        %add3A_246 = arith.addi %while3A_107, %add3A_245 : i32
        %get3A_247 = arith.index_cast %add3A_246 : i32 to index
        %get3A_248 = tpu.vector_load %arg11[%get3A_247] {strides = array<i32>} : memref<8192xf32, #tpu.memory_space<vmem>>, vector<16xf32>,
        %sub3A_249 = vector.broadcast %squeeze3A : f32 to vector<16xf32>
        %sub3A_250 = arith.subf %get3A_248, %sub3A_249 : vector<16xf32>
        %add3A_251 = arith.constant 80 : i32
        %add3A_252 = arith.addi %while3A_107, %add3A_251 : i32
        %get3A_253 = arith.index_cast %add3A_252 : i32 to index
        %get3A_254 = tpu.vector_load %arg12[%get3A_253] {strides = array<i32>} : memref<8192xf32, #tpu.memory_space<vmem>>, vector<16xf32>,
        %sub3A_255 = vector.broadcast %squeeze3A_52 : f32 to vector<16xf32>
        %sub3A_256 = arith.subf %get3A_254, %sub3A_255 : vector<16xf32>
        %add3A_257 = arith.constant 80 : i32
        %add3A_258 = arith.addi %while3A_107, %add3A_257 : i32
        %get3A_259 = arith.index_cast %add3A_258 : i32 to index
        %get3A_260 = tpu.vector_load %arg13[%get3A_259] {strides = array<i32>} : memref<8192xf32, #tpu.memory_space<vmem>>, vector<16xf32>,
        %sub3A_261 = vector.broadcast %squeeze3A_56 : f32 to vector<16xf32>
        %sub3A_262 = arith.subf %get3A_260, %sub3A_261 : vector<16xf32>
        %mul3A_263 = arith.mulf %sub3A_250, %sub3A_250 : vector<16xf32>
        %mul3A_264 = arith.mulf %sub3A_256, %sub3A_256 : vector<16xf32>
        %add3A_265 = arith.addf %mul3A_263, %mul3A_264 : vector<16xf32>
        %mul3A_266 = arith.mulf %sub3A_262, %sub3A_262 : vector<16xf32>
        %add3A_267 = arith.addf %add3A_265, %mul3A_266 : vector<16xf32>
        %add3A_268 = arith.constant 80 : i32
        %add3A_269 = arith.addi %while3A_107, %add3A_268 : i32
        %add3A_270 = vector.broadcast %add3A_269 : i32 to vector<16xi32>
        %add3A_271 = arith.addi %iota3A, %add3A_270 : vector<16xi32>
        %add3A_272 = arith.constant 96 : i32
        %add3A_273 = arith.addi %while3A_107, %add3A_272 : i32
        %get3A_274 = arith.index_cast %add3A_273 : i32 to index
        %get3A_275 = tpu.vector_load %arg11[%get3A_274] {strides = array<i32>} : memref<8192xf32, #tpu.memory_space<vmem>>, vector<16xf32>,
        %sub3A_276 = vector.broadcast %squeeze3A : f32 to vector<16xf32>
        %sub3A_277 = arith.subf %get3A_275, %sub3A_276 : vector<16xf32>
        %add3A_278 = arith.constant 96 : i32
        %add3A_279 = arith.addi %while3A_107, %add3A_278 : i32
        %get3A_280 = arith.index_cast %add3A_279 : i32 to index
        %get3A_281 = tpu.vector_load %arg12[%get3A_280] {strides = array<i32>} : memref<8192xf32, #tpu.memory_space<vmem>>, vector<16xf32>,
        %sub3A_282 = vector.broadcast %squeeze3A_52 : f32 to vector<16xf32>
        %sub3A_283 = arith.subf %get3A_281, %sub3A_282 : vector<16xf32>
        %add3A_284 = arith.constant 96 : i32
        %add3A_285 = arith.addi %while3A_107, %add3A_284 : i32
        %get3A_286 = arith.index_cast %add3A_285 : i32 to index
        %get3A_287 = tpu.vector_load %arg13[%get3A_286] {strides = array<i32>} : memref<8192xf32, #tpu.memory_space<vmem>>, vector<16xf32>,
        %sub3A_288 = vector.broadcast %squeeze3A_56 : f32 to vector<16xf32>
        %sub3A_289 = arith.subf %get3A_287, %sub3A_288 : vector<16xf32>
        %mul3A_290 = arith.mulf %sub3A_277, %sub3A_277 : vector<16xf32>
        %mul3A_291 = arith.mulf %sub3A_283, %sub3A_283 : vector<16xf32>
        %add3A_292 = arith.addf %mul3A_290, %mul3A_291 : vector<16xf32>
        %mul3A_293 = arith.mulf %sub3A_289, %sub3A_289 : vector<16xf32>
        %add3A_294 = arith.addf %add3A_292, %mul3A_293 : vector<16xf32>
        %add3A_295 = arith.constant 96 : i32
        %add3A_296 = arith.addi %while3A_107, %add3A_295 : i32
        %add3A_297 = vector.broadcast %add3A_296 : i32 to vector<16xi32>
        %add3A_298 = arith.addi %iota3A, %add3A_297 : vector<16xi32>
        %add3A_299 = arith.constant 112 : i32
        %add3A_300 = arith.addi %while3A_107, %add3A_299 : i32
        %get3A_301 = arith.index_cast %add3A_300 : i32 to index
        %get3A_302 = tpu.vector_load %arg11[%get3A_301] {strides = array<i32>} : memref<8192xf32, #tpu.memory_space<vmem>>, vector<16xf32>,
        %sub3A_303 = vector.broadcast %squeeze3A : f32 to vector<16xf32>
        %sub3A_304 = arith.subf %get3A_302, %sub3A_303 : vector<16xf32>
        %add3A_305 = arith.constant 112 : i32
        %add3A_306 = arith.addi %while3A_107, %add3A_305 : i32
        %get3A_307 = arith.index_cast %add3A_306 : i32 to index
        %get3A_308 = tpu.vector_load %arg12[%get3A_307] {strides = array<i32>} : memref<8192xf32, #tpu.memory_space<vmem>>, vector<16xf32>,
        %sub3A_309 = vector.broadcast %squeeze3A_52 : f32 to vector<16xf32>
        %sub3A_310 = arith.subf %get3A_308, %sub3A_309 : vector<16xf32>
        %add3A_311 = arith.constant 112 : i32
        %add3A_312 = arith.addi %while3A_107, %add3A_311 : i32
        %get3A_313 = arith.index_cast %add3A_312 : i32 to index
        %get3A_314 = tpu.vector_load %arg13[%get3A_313] {strides = array<i32>} : memref<8192xf32, #tpu.memory_space<vmem>>, vector<16xf32>,
        %sub3A_315 = vector.broadcast %squeeze3A_56 : f32 to vector<16xf32>
        %sub3A_316 = arith.subf %get3A_314, %sub3A_315 : vector<16xf32>
        %mul3A_317 = arith.mulf %sub3A_304, %sub3A_304 : vector<16xf32>
        %mul3A_318 = arith.mulf %sub3A_310, %sub3A_310 : vector<16xf32>
        %add3A_319 = arith.addf %mul3A_317, %mul3A_318 : vector<16xf32>
        %mul3A_320 = arith.mulf %sub3A_316, %sub3A_316 : vector<16xf32>
        %add3A_321 = arith.addf %add3A_319, %mul3A_320 : vector<16xf32>
        %add3A_322 = arith.constant 112 : i32
        %add3A_323 = arith.addi %while3A_107, %add3A_322 : i32
        %add3A_324 = vector.broadcast %add3A_323 : i32 to vector<16xi32>
        %add3A_325 = arith.addi %iota3A, %add3A_324 : vector<16xi32>
        %swap3A_326 = arith.constant 0 : i32
        %swap3A_327 = arith.index_cast %swap3A_326 : i32 to index
        %swap3A_328 = memref.load %arg22[%swap3A_327] : memref<2xi32, #tpu.memory_space<smem>>
        memref.store %while3A_108, %arg22[%swap3A_327] : memref<2xi32, #tpu.memory_space<smem>>
        %swap3A_329 = arith.constant 1 : i32
        %swap3A_330 = arith.index_cast %swap3A_329 : i32 to index
        %swap3A_331 = memref.load %arg22[%swap3A_330] : memref<2xi32, #tpu.memory_space<smem>>
        memref.store %while3A_109, %arg22[%swap3A_330] : memref<2xi32, #tpu.memory_space<smem>>
        %lt3A_332 = arith.constant 16 : i32
        %lt3A_333 = arith.cmpi slt, %while3A_108, %lt3A_332 : i32
        %convert_element_type3A = arith.extui %lt3A_333 : i1 to i32
        %cond3A = arith.constant 0 : i32
        %cond3A_334 = arith.cmpi ne, %convert_element_type3A, %cond3A : i32
        scf.if %cond3A_334 {
          %lt3A_348 = arith.constant 6.400000e-01 : f32
          %lt3A_349 = vector.broadcast %lt3A_348 : f32 to vector<16xf32>
          %lt3A_350 = arith.cmpf olt, %add3A_132, %lt3A_349 : vector<16xf32>
          %swap3A_351 = arith.index_cast %while3A_108 : i32 to index
          %swap3A_352 = tpu.vector_load %arg20[%swap3A_351] masked %lt3A_350 {strides = array<i32>} : memref<160xi32, #tpu.memory_space<vmem>>, vector<16xi32>, vector<16xi1>
          tpu.vector_store %arg20[%swap3A_351], %add3A_136 masked %lt3A_350 {strides = array<i32>} : memref<160xi32, #tpu.memory_space<vmem>>, vector<16xi32>, vector<16xi1>
          %all_reduce_population_count3A = tpu.all_reduce %lt3A_350 {dim = 0 : i64, kind = #tpu.reduction_kind<sum>} : vector<16xi1> -> vector<16xi32>
          %slice3A_353 = vector.extract_strided_slice %all_reduce_population_count3A {offsets = [0], sizes = [1], strides = [1]} : vector<16xi32> to vector<1xi32>
          %squeeze3A_354 = vector.extract %slice3A_353[0] : i32 from vector<1xi32>
          %add3A_355 = arith.addi %while3A_108, %squeeze3A_354 : i32
          %lt3A_356 = arith.constant 6.400000e-01 : f32
          %lt3A_357 = vector.broadcast %lt3A_356 : f32 to vector<16xf32>
          %lt3A_358 = arith.cmpf olt, %add3A_159, %lt3A_357 : vector<16xf32>
          %swap3A_359 = arith.index_cast %add3A_355 : i32 to index
          %swap3A_360 = tpu.vector_load %arg20[%swap3A_359] masked %lt3A_358 {strides = array<i32>} : memref<160xi32, #tpu.memory_space<vmem>>, vector<16xi32>, vector<16xi1>
          tpu.vector_store %arg20[%swap3A_359], %add3A_163 masked %lt3A_358 {strides = array<i32>} : memref<160xi32, #tpu.memory_space<vmem>>, vector<16xi32>, vector<16xi1>
          %all_reduce_population_count3A_361 = tpu.all_reduce %lt3A_358 {dim = 0 : i64, kind = #tpu.reduction_kind<sum>} : vector<16xi1> -> vector<16xi32>
          %slice3A_362 = vector.extract_strided_slice %all_reduce_population_count3A_361 {offsets = [0], sizes = [1], strides = [1]} : vector<16xi32> to vector<1xi32>
          %squeeze3A_363 = vector.extract %slice3A_362[0] : i32 from vector<1xi32>
          %add3A_364 = arith.addi %add3A_355, %squeeze3A_363 : i32
          %lt3A_365 = arith.constant 6.400000e-01 : f32
          %lt3A_366 = vector.broadcast %lt3A_365 : f32 to vector<16xf32>
          %lt3A_367 = arith.cmpf olt, %add3A_186, %lt3A_366 : vector<16xf32>
          %swap3A_368 = arith.index_cast %add3A_364 : i32 to index
          %swap3A_369 = tpu.vector_load %arg20[%swap3A_368] masked %lt3A_367 {strides = array<i32>} : memref<160xi32, #tpu.memory_space<vmem>>, vector<16xi32>, vector<16xi1>
          tpu.vector_store %arg20[%swap3A_368], %add3A_190 masked %lt3A_367 {strides = array<i32>} : memref<160xi32, #tpu.memory_space<vmem>>, vector<16xi32>, vector<16xi1>
          %all_reduce_population_count3A_370 = tpu.all_reduce %lt3A_367 {dim = 0 : i64, kind = #tpu.reduction_kind<sum>} : vector<16xi1> -> vector<16xi32>
          %slice3A_371 = vector.extract_strided_slice %all_reduce_population_count3A_370 {offsets = [0], sizes = [1], strides = [1]} : vector<16xi32> to vector<1xi32>
          %squeeze3A_372 = vector.extract %slice3A_371[0] : i32 from vector<1xi32>
          %add3A_373 = arith.addi %add3A_364, %squeeze3A_372 : i32
          %lt3A_374 = arith.constant 6.400000e-01 : f32
          %lt3A_375 = vector.broadcast %lt3A_374 : f32 to vector<16xf32>
          %lt3A_376 = arith.cmpf olt, %add3A_213, %lt3A_375 : vector<16xf32>
          %swap3A_377 = arith.index_cast %add3A_373 : i32 to index
          %swap3A_378 = tpu.vector_load %arg20[%swap3A_377] masked %lt3A_376 {strides = array<i32>} : memref<160xi32, #tpu.memory_space<vmem>>, vector<16xi32>, vector<16xi1>
          tpu.vector_store %arg20[%swap3A_377], %add3A_217 masked %lt3A_376 {strides = array<i32>} : memref<160xi32, #tpu.memory_space<vmem>>, vector<16xi32>, vector<16xi1>
          %all_reduce_population_count3A_379 = tpu.all_reduce %lt3A_376 {dim = 0 : i64, kind = #tpu.reduction_kind<sum>} : vector<16xi1> -> vector<16xi32>
          %slice3A_380 = vector.extract_strided_slice %all_reduce_population_count3A_379 {offsets = [0], sizes = [1], strides = [1]} : vector<16xi32> to vector<1xi32>
          %squeeze3A_381 = vector.extract %slice3A_380[0] : i32 from vector<1xi32>
          %add3A_382 = arith.addi %add3A_373, %squeeze3A_381 : i32
          %lt3A_383 = arith.constant 6.400000e-01 : f32
          %lt3A_384 = vector.broadcast %lt3A_383 : f32 to vector<16xf32>
          %lt3A_385 = arith.cmpf olt, %add3A_240, %lt3A_384 : vector<16xf32>
          %swap3A_386 = arith.index_cast %add3A_382 : i32 to index
          %swap3A_387 = tpu.vector_load %arg20[%swap3A_386] masked %lt3A_385 {strides = array<i32>} : memref<160xi32, #tpu.memory_space<vmem>>, vector<16xi32>, vector<16xi1>
          tpu.vector_store %arg20[%swap3A_386], %add3A_244 masked %lt3A_385 {strides = array<i32>} : memref<160xi32, #tpu.memory_space<vmem>>, vector<16xi32>, vector<16xi1>
          %all_reduce_population_count3A_388 = tpu.all_reduce %lt3A_385 {dim = 0 : i64, kind = #tpu.reduction_kind<sum>} : vector<16xi1> -> vector<16xi32>
          %slice3A_389 = vector.extract_strided_slice %all_reduce_population_count3A_388 {offsets = [0], sizes = [1], strides = [1]} : vector<16xi32> to vector<1xi32>
          %squeeze3A_390 = vector.extract %slice3A_389[0] : i32 from vector<1xi32>
          %add3A_391 = arith.addi %add3A_382, %squeeze3A_390 : i32
          %lt3A_392 = arith.constant 6.400000e-01 : f32
          %lt3A_393 = vector.broadcast %lt3A_392 : f32 to vector<16xf32>
          %lt3A_394 = arith.cmpf olt, %add3A_267, %lt3A_393 : vector<16xf32>
          %swap3A_395 = arith.index_cast %add3A_391 : i32 to index
          %swap3A_396 = tpu.vector_load %arg20[%swap3A_395] masked %lt3A_394 {strides = array<i32>} : memref<160xi32, #tpu.memory_space<vmem>>, vector<16xi32>, vector<16xi1>
          tpu.vector_store %arg20[%swap3A_395], %add3A_271 masked %lt3A_394 {strides = array<i32>} : memref<160xi32, #tpu.memory_space<vmem>>, vector<16xi32>, vector<16xi1>
          %all_reduce_population_count3A_397 = tpu.all_reduce %lt3A_394 {dim = 0 : i64, kind = #tpu.reduction_kind<sum>} : vector<16xi1> -> vector<16xi32>
          %slice3A_398 = vector.extract_strided_slice %all_reduce_population_count3A_397 {offsets = [0], sizes = [1], strides = [1]} : vector<16xi32> to vector<1xi32>
          %squeeze3A_399 = vector.extract %slice3A_398[0] : i32 from vector<1xi32>
          %add3A_400 = arith.addi %add3A_391, %squeeze3A_399 : i32
          %lt3A_401 = arith.constant 6.400000e-01 : f32
          %lt3A_402 = vector.broadcast %lt3A_401 : f32 to vector<16xf32>
          %lt3A_403 = arith.cmpf olt, %add3A_294, %lt3A_402 : vector<16xf32>
          %swap3A_404 = arith.index_cast %add3A_400 : i32 to index
          %swap3A_405 = tpu.vector_load %arg20[%swap3A_404] masked %lt3A_403 {strides = array<i32>} : memref<160xi32, #tpu.memory_space<vmem>>, vector<16xi32>, vector<16xi1>
          tpu.vector_store %arg20[%swap3A_404], %add3A_298 masked %lt3A_403 {strides = array<i32>} : memref<160xi32, #tpu.memory_space<vmem>>, vector<16xi32>, vector<16xi1>
          %all_reduce_population_count3A_406 = tpu.all_reduce %lt3A_403 {dim = 0 : i64, kind = #tpu.reduction_kind<sum>} : vector<16xi1> -> vector<16xi32>
          %slice3A_407 = vector.extract_strided_slice %all_reduce_population_count3A_406 {offsets = [0], sizes = [1], strides = [1]} : vector<16xi32> to vector<1xi32>
          %squeeze3A_408 = vector.extract %slice3A_407[0] : i32 from vector<1xi32>
          %add3A_409 = arith.addi %add3A_400, %squeeze3A_408 : i32
          %lt3A_410 = arith.constant 6.400000e-01 : f32
          %lt3A_411 = vector.broadcast %lt3A_410 : f32 to vector<16xf32>
          %lt3A_412 = arith.cmpf olt, %add3A_321, %lt3A_411 : vector<16xf32>
          %swap3A_413 = arith.index_cast %add3A_409 : i32 to index
          %swap3A_414 = tpu.vector_load %arg20[%swap3A_413] masked %lt3A_412 {strides = array<i32>} : memref<160xi32, #tpu.memory_space<vmem>>, vector<16xi32>, vector<16xi1>
          tpu.vector_store %arg20[%swap3A_413], %add3A_325 masked %lt3A_412 {strides = array<i32>} : memref<160xi32, #tpu.memory_space<vmem>>, vector<16xi32>, vector<16xi1>
          %all_reduce_population_count3A_415 = tpu.all_reduce %lt3A_412 {dim = 0 : i64, kind = #tpu.reduction_kind<sum>} : vector<16xi1> -> vector<16xi32>
          %slice3A_416 = vector.extract_strided_slice %all_reduce_population_count3A_415 {offsets = [0], sizes = [1], strides = [1]} : vector<16xi32> to vector<1xi32>
          %squeeze3A_417 = vector.extract %slice3A_416[0] : i32 from vector<1xi32>
          %add3A_418 = arith.addi %add3A_409, %squeeze3A_417 : i32
          %swap3A_419 = arith.constant 0 : i32
          %swap3A_420 = arith.index_cast %swap3A_419 : i32 to index
          %swap3A_421 = memref.load %arg22[%swap3A_420] : memref<2xi32, #tpu.memory_space<smem>>
          memref.store %add3A_418, %arg22[%swap3A_420] : memref<2xi32, #tpu.memory_space<smem>>
        } else {
        }
        %lt3A_335 = arith.constant 32 : i32
        %lt3A_336 = arith.cmpi slt, %while3A_109, %lt3A_335 : i32
        %convert_element_type3A_337 = arith.extui %lt3A_336 : i1 to i32
        %cond3A_338 = arith.constant 0 : i32
        %cond3A_339 = arith.cmpi ne, %convert_element_type3A_337, %cond3A_338 : i32
        scf.if %cond3A_339 {
          %lt3A_348 = arith.constant 2.560000e+00 : f32
          %lt3A_349 = vector.broadcast %lt3A_348 : f32 to vector<16xf32>
          %lt3A_350 = arith.cmpf olt, %add3A_132, %lt3A_349 : vector<16xf32>
          %swap3A_351 = arith.index_cast %while3A_109 : i32 to index
          %swap3A_352 = tpu.vector_load %arg21[%swap3A_351] masked %lt3A_350 {strides = array<i32>} : memref<160xi32, #tpu.memory_space<vmem>>, vector<16xi32>, vector<16xi1>
          tpu.vector_store %arg21[%swap3A_351], %add3A_136 masked %lt3A_350 {strides = array<i32>} : memref<160xi32, #tpu.memory_space<vmem>>, vector<16xi32>, vector<16xi1>
          %all_reduce_population_count3A = tpu.all_reduce %lt3A_350 {dim = 0 : i64, kind = #tpu.reduction_kind<sum>} : vector<16xi1> -> vector<16xi32>
          %slice3A_353 = vector.extract_strided_slice %all_reduce_population_count3A {offsets = [0], sizes = [1], strides = [1]} : vector<16xi32> to vector<1xi32>
          %squeeze3A_354 = vector.extract %slice3A_353[0] : i32 from vector<1xi32>
          %add3A_355 = arith.addi %while3A_109, %squeeze3A_354 : i32
          %lt3A_356 = arith.constant 2.560000e+00 : f32
          %lt3A_357 = vector.broadcast %lt3A_356 : f32 to vector<16xf32>
          %lt3A_358 = arith.cmpf olt, %add3A_159, %lt3A_357 : vector<16xf32>
          %swap3A_359 = arith.index_cast %add3A_355 : i32 to index
          %swap3A_360 = tpu.vector_load %arg21[%swap3A_359] masked %lt3A_358 {strides = array<i32>} : memref<160xi32, #tpu.memory_space<vmem>>, vector<16xi32>, vector<16xi1>
          tpu.vector_store %arg21[%swap3A_359], %add3A_163 masked %lt3A_358 {strides = array<i32>} : memref<160xi32, #tpu.memory_space<vmem>>, vector<16xi32>, vector<16xi1>
          %all_reduce_population_count3A_361 = tpu.all_reduce %lt3A_358 {dim = 0 : i64, kind = #tpu.reduction_kind<sum>} : vector<16xi1> -> vector<16xi32>
          %slice3A_362 = vector.extract_strided_slice %all_reduce_population_count3A_361 {offsets = [0], sizes = [1], strides = [1]} : vector<16xi32> to vector<1xi32>
          %squeeze3A_363 = vector.extract %slice3A_362[0] : i32 from vector<1xi32>
          %add3A_364 = arith.addi %add3A_355, %squeeze3A_363 : i32
          %lt3A_365 = arith.constant 2.560000e+00 : f32
          %lt3A_366 = vector.broadcast %lt3A_365 : f32 to vector<16xf32>
          %lt3A_367 = arith.cmpf olt, %add3A_186, %lt3A_366 : vector<16xf32>
          %swap3A_368 = arith.index_cast %add3A_364 : i32 to index
          %swap3A_369 = tpu.vector_load %arg21[%swap3A_368] masked %lt3A_367 {strides = array<i32>} : memref<160xi32, #tpu.memory_space<vmem>>, vector<16xi32>, vector<16xi1>
          tpu.vector_store %arg21[%swap3A_368], %add3A_190 masked %lt3A_367 {strides = array<i32>} : memref<160xi32, #tpu.memory_space<vmem>>, vector<16xi32>, vector<16xi1>
          %all_reduce_population_count3A_370 = tpu.all_reduce %lt3A_367 {dim = 0 : i64, kind = #tpu.reduction_kind<sum>} : vector<16xi1> -> vector<16xi32>
          %slice3A_371 = vector.extract_strided_slice %all_reduce_population_count3A_370 {offsets = [0], sizes = [1], strides = [1]} : vector<16xi32> to vector<1xi32>
          %squeeze3A_372 = vector.extract %slice3A_371[0] : i32 from vector<1xi32>
          %add3A_373 = arith.addi %add3A_364, %squeeze3A_372 : i32
          %lt3A_374 = arith.constant 2.560000e+00 : f32
          %lt3A_375 = vector.broadcast %lt3A_374 : f32 to vector<16xf32>
          %lt3A_376 = arith.cmpf olt, %add3A_213, %lt3A_375 : vector<16xf32>
          %swap3A_377 = arith.index_cast %add3A_373 : i32 to index
          %swap3A_378 = tpu.vector_load %arg21[%swap3A_377] masked %lt3A_376 {strides = array<i32>} : memref<160xi32, #tpu.memory_space<vmem>>, vector<16xi32>, vector<16xi1>
          tpu.vector_store %arg21[%swap3A_377], %add3A_217 masked %lt3A_376 {strides = array<i32>} : memref<160xi32, #tpu.memory_space<vmem>>, vector<16xi32>, vector<16xi1>
          %all_reduce_population_count3A_379 = tpu.all_reduce %lt3A_376 {dim = 0 : i64, kind = #tpu.reduction_kind<sum>} : vector<16xi1> -> vector<16xi32>
          %slice3A_380 = vector.extract_strided_slice %all_reduce_population_count3A_379 {offsets = [0], sizes = [1], strides = [1]} : vector<16xi32> to vector<1xi32>
          %squeeze3A_381 = vector.extract %slice3A_380[0] : i32 from vector<1xi32>
          %add3A_382 = arith.addi %add3A_373, %squeeze3A_381 : i32
          %lt3A_383 = arith.constant 2.560000e+00 : f32
          %lt3A_384 = vector.broadcast %lt3A_383 : f32 to vector<16xf32>
          %lt3A_385 = arith.cmpf olt, %add3A_240, %lt3A_384 : vector<16xf32>
          %swap3A_386 = arith.index_cast %add3A_382 : i32 to index
          %swap3A_387 = tpu.vector_load %arg21[%swap3A_386] masked %lt3A_385 {strides = array<i32>} : memref<160xi32, #tpu.memory_space<vmem>>, vector<16xi32>, vector<16xi1>
          tpu.vector_store %arg21[%swap3A_386], %add3A_244 masked %lt3A_385 {strides = array<i32>} : memref<160xi32, #tpu.memory_space<vmem>>, vector<16xi32>, vector<16xi1>
          %all_reduce_population_count3A_388 = tpu.all_reduce %lt3A_385 {dim = 0 : i64, kind = #tpu.reduction_kind<sum>} : vector<16xi1> -> vector<16xi32>
          %slice3A_389 = vector.extract_strided_slice %all_reduce_population_count3A_388 {offsets = [0], sizes = [1], strides = [1]} : vector<16xi32> to vector<1xi32>
          %squeeze3A_390 = vector.extract %slice3A_389[0] : i32 from vector<1xi32>
          %add3A_391 = arith.addi %add3A_382, %squeeze3A_390 : i32
          %lt3A_392 = arith.constant 2.560000e+00 : f32
          %lt3A_393 = vector.broadcast %lt3A_392 : f32 to vector<16xf32>
          %lt3A_394 = arith.cmpf olt, %add3A_267, %lt3A_393 : vector<16xf32>
          %swap3A_395 = arith.index_cast %add3A_391 : i32 to index
          %swap3A_396 = tpu.vector_load %arg21[%swap3A_395] masked %lt3A_394 {strides = array<i32>} : memref<160xi32, #tpu.memory_space<vmem>>, vector<16xi32>, vector<16xi1>
          tpu.vector_store %arg21[%swap3A_395], %add3A_271 masked %lt3A_394 {strides = array<i32>} : memref<160xi32, #tpu.memory_space<vmem>>, vector<16xi32>, vector<16xi1>
          %all_reduce_population_count3A_397 = tpu.all_reduce %lt3A_394 {dim = 0 : i64, kind = #tpu.reduction_kind<sum>} : vector<16xi1> -> vector<16xi32>
          %slice3A_398 = vector.extract_strided_slice %all_reduce_population_count3A_397 {offsets = [0], sizes = [1], strides = [1]} : vector<16xi32> to vector<1xi32>
          %squeeze3A_399 = vector.extract %slice3A_398[0] : i32 from vector<1xi32>
          %add3A_400 = arith.addi %add3A_391, %squeeze3A_399 : i32
          %lt3A_401 = arith.constant 2.560000e+00 : f32
          %lt3A_402 = vector.broadcast %lt3A_401 : f32 to vector<16xf32>
          %lt3A_403 = arith.cmpf olt, %add3A_294, %lt3A_402 : vector<16xf32>
          %swap3A_404 = arith.index_cast %add3A_400 : i32 to index
          %swap3A_405 = tpu.vector_load %arg21[%swap3A_404] masked %lt3A_403 {strides = array<i32>} : memref<160xi32, #tpu.memory_space<vmem>>, vector<16xi32>, vector<16xi1>
          tpu.vector_store %arg21[%swap3A_404], %add3A_298 masked %lt3A_403 {strides = array<i32>} : memref<160xi32, #tpu.memory_space<vmem>>, vector<16xi32>, vector<16xi1>
          %all_reduce_population_count3A_406 = tpu.all_reduce %lt3A_403 {dim = 0 : i64, kind = #tpu.reduction_kind<sum>} : vector<16xi1> -> vector<16xi32>
          %slice3A_407 = vector.extract_strided_slice %all_reduce_population_count3A_406 {offsets = [0], sizes = [1], strides = [1]} : vector<16xi32> to vector<1xi32>
          %squeeze3A_408 = vector.extract %slice3A_407[0] : i32 from vector<1xi32>
          %add3A_409 = arith.addi %add3A_400, %squeeze3A_408 : i32
          %lt3A_410 = arith.constant 2.560000e+00 : f32
          %lt3A_411 = vector.broadcast %lt3A_410 : f32 to vector<16xf32>
          %lt3A_412 = arith.cmpf olt, %add3A_321, %lt3A_411 : vector<16xf32>
          %swap3A_413 = arith.index_cast %add3A_409 : i32 to index
          %swap3A_414 = tpu.vector_load %arg21[%swap3A_413] masked %lt3A_412 {strides = array<i32>} : memref<160xi32, #tpu.memory_space<vmem>>, vector<16xi32>, vector<16xi1>
          tpu.vector_store %arg21[%swap3A_413], %add3A_325 masked %lt3A_412 {strides = array<i32>} : memref<160xi32, #tpu.memory_space<vmem>>, vector<16xi32>, vector<16xi1>
          %all_reduce_population_count3A_415 = tpu.all_reduce %lt3A_412 {dim = 0 : i64, kind = #tpu.reduction_kind<sum>} : vector<16xi1> -> vector<16xi32>
          %slice3A_416 = vector.extract_strided_slice %all_reduce_population_count3A_415 {offsets = [0], sizes = [1], strides = [1]} : vector<16xi32> to vector<1xi32>
          %squeeze3A_417 = vector.extract %slice3A_416[0] : i32 from vector<1xi32>
          %add3A_418 = arith.addi %add3A_409, %squeeze3A_417 : i32
          %swap3A_419 = arith.constant 1 : i32
          %swap3A_420 = arith.index_cast %swap3A_419 : i32 to index
          %swap3A_421 = memref.load %arg22[%swap3A_420] : memref<2xi32, #tpu.memory_space<smem>>
          memref.store %add3A_418, %arg22[%swap3A_420] : memref<2xi32, #tpu.memory_space<smem>>
        } else {
        }
        %add3A_340 = arith.constant 128 : i32
        %add3A_341 = arith.addi %while3A_107, %add3A_340 : i32
        %get3A_342 = arith.constant 0 : i32
        %get3A_343 = arith.index_cast %get3A_342 : i32 to index
        %get3A_344 = memref.load %arg22[%get3A_343] : memref<2xi32, #tpu.memory_space<smem>>
        %get3A_345 = arith.constant 1 : i32
        %get3A_346 = arith.index_cast %get3A_345 : i32 to index
        %get3A_347 = memref.load %arg22[%get3A_346] : memref<2xi32, #tpu.memory_space<smem>>
        scf.yield %add3A_341, %get3A_344, %get3A_347 : i32, i32, i32
      }
      %get3A_60 = arith.constant 0 : index
      %get3A_61 = tpu.vector_load %arg20[%get3A_60] {strides = array<i32>} : memref<160xi32, #tpu.memory_space<vmem>>, vector<16xi32>,
      %get3A_62 = arith.constant 0 : index
      %get3A_63 = tpu.vector_load %arg21[%get3A_62] {strides = array<i32>} : memref<160xi32, #tpu.memory_space<vmem>>, vector<16xi32>,
      %get3A_64 = arith.constant 16 : index
      %get3A_65 = tpu.vector_load %arg21[%get3A_64] {strides = array<i32>} : memref<160xi32, #tpu.memory_space<vmem>>, vector<16xi32>,
      %gt3A = arith.constant 0 : i32
      %gt3A_66 = arith.cmpi sgt, %while3A_59#1, %gt3A : i32
      %slice3A_67 = vector.extract_strided_slice %get3A_61 {offsets = [0], sizes = [1], strides = [1]} : vector<16xi32> to vector<1xi32>
      %squeeze3A_68 = vector.extract %slice3A_67[0] : i32 from vector<1xi32>
      %jit3A_69 = arith.constant 0 : i32
      %select_n3A_70 = arith.select %gt3A_66, %squeeze3A_68, %jit3A_69 : i32
      %add3A_71 = arith.addi %select_n3A_70, %mul3A_41 : i32
      %gt3A_72 = arith.constant 0 : i32
      %gt3A_73 = arith.cmpi sgt, %while3A_59#2, %gt3A_72 : i32
      %slice3A_74 = vector.extract_strided_slice %get3A_63 {offsets = [0], sizes = [1], strides = [1]} : vector<16xi32> to vector<1xi32>
      %squeeze3A_75 = vector.extract %slice3A_74[0] : i32 from vector<1xi32>
      %jit3A_76 = arith.constant 0 : i32
      %select_n3A_77 = arith.select %gt3A_73, %squeeze3A_75, %jit3A_76 : i32
      %add3A_78 = arith.addi %select_n3A_77, %mul3A_41 : i32
      %lt3A_79 = vector.broadcast %while3A_59#1 : i32 to vector<16xi32>
      %lt3A_80 = arith.cmpi slt, %iota3A, %lt3A_79 : vector<16xi32>
      %add3A_81 = vector.broadcast %mul3A_41 : i32 to vector<16xi32>
      %add3A_82 = arith.addi %get3A_61, %add3A_81 : vector<16xi32>
      %broadcast_in_dim3A = vector.broadcast %add3A_71 : i32 to vector<16xi32>
      %select_n3A_83 = arith.select %lt3A_80, %add3A_82, %broadcast_in_dim3A : vector<16xi1>, vector<16xi32>
      %swap3A = arith.index_cast %scan3A_47 : i32 to index
      %swap3A_84 = arith.constant 0 : index
      %swap3A_85 = tpu.vector_load %arg18[%swap3A, %swap3A_84] {strides = array<i32>} : memref<256x16xi32, #tpu.memory_space<vmem>>, vector<16xi32>,
      tpu.vector_store %arg18[%swap3A, %swap3A_84], %select_n3A_83 {strides = array<i32>} : memref<256x16xi32, #tpu.memory_space<vmem>>, vector<16xi32>,
      %lt3A_86 = vector.broadcast %while3A_59#2 : i32 to vector<16xi32>
      %lt3A_87 = arith.cmpi slt, %iota3A, %lt3A_86 : vector<16xi32>
      %add3A_88 = vector.broadcast %mul3A_41 : i32 to vector<16xi32>
      %add3A_89 = arith.addi %get3A_63, %add3A_88 : vector<16xi32>
      %broadcast_in_dim3A_90 = vector.broadcast %add3A_78 : i32 to vector<16xi32>
      %select_n3A_91 = arith.select %lt3A_87, %add3A_89, %broadcast_in_dim3A_90 : vector<16xi1>, vector<16xi32>
      %swap3A_92 = arith.index_cast %scan3A_47 : i32 to index
      %swap3A_93 = arith.constant 0 : index
      %swap3A_94 = tpu.vector_load %arg19[%swap3A_92, %swap3A_93] {strides = array<i32>} : memref<256x32xi32, #tpu.memory_space<vmem>>, vector<16xi32>,
      tpu.vector_store %arg19[%swap3A_92, %swap3A_93], %select_n3A_91 {strides = array<i32>} : memref<256x32xi32, #tpu.memory_space<vmem>>, vector<16xi32>,
      %add3A_95 = arith.constant 16 : i32
      %add3A_96 = vector.broadcast %add3A_95 : i32 to vector<16xi32>
      %add3A_97 = arith.addi %iota3A, %add3A_96 : vector<16xi32>
      %lt3A_98 = vector.broadcast %while3A_59#2 : i32 to vector<16xi32>
      %lt3A_99 = arith.cmpi slt, %add3A_97, %lt3A_98 : vector<16xi32>
      %add3A_100 = vector.broadcast %mul3A_41 : i32 to vector<16xi32>
      %add3A_101 = arith.addi %get3A_65, %add3A_100 : vector<16xi32>
      %broadcast_in_dim3A_102 = vector.broadcast %add3A_78 : i32 to vector<16xi32>
      %select_n3A_103 = arith.select %lt3A_99, %add3A_101, %broadcast_in_dim3A_102 : vector<16xi1>, vector<16xi32>
      %swap3A_104 = arith.index_cast %scan3A_47 : i32 to index
      %swap3A_105 = arith.constant 16 : index
      %swap3A_106 = tpu.vector_load %arg19[%swap3A_104, %swap3A_105] {strides = array<i32>} : memref<256x32xi32, #tpu.memory_space<vmem>>, vector<16xi32>,
      tpu.vector_store %arg19[%swap3A_104, %swap3A_105], %select_n3A_103 {strides = array<i32>} : memref<256x32xi32, #tpu.memory_space<vmem>>, vector<16xi32>,
    }
    %scan3A_46 = arith.constant 256 : i32
    "tpu.region"() ({
      %run_scoped3A = tpu.sem_alloc : memref<!tpu.dma_semaphore, #tpu.memory_space<semaphore_mem>>
      %dma_start3A = arith.constant 0 : i32
      %dma_start3A_47 = tpu.memref_slice %arg6[%add3A_35, %dma_start3A] : memref<8192x16xi32, #tpu.memory_space<hbm>> -> memref<256x16xi32, #tpu.memory_space<hbm>>
      %dma_start3A_48 = arith.constant 0 : i32
      %dma_start3A_49 = tpu.memref_slice %arg6[%add3A_35, %dma_start3A_48] : memref<8192x16xi32, #tpu.memory_space<hbm>> -> memref<256x16xi32, #tpu.memory_space<hbm>>
      tpu.enqueue_dma source(%arg18 : memref<256x16xi32, #tpu.memory_space<vmem>>) target(%dma_start3A_49 : memref<256x16xi32, #tpu.memory_space<hbm>>) target_semaphore(%run_scoped3A : memref<!tpu.dma_semaphore, #tpu.memory_space<semaphore_mem>>)
      %dma_wait3A = arith.constant 0 : i32
      %dma_wait3A_50 = tpu.memref_slice %arg6[%add3A_35, %dma_wait3A] : memref<8192x16xi32, #tpu.memory_space<hbm>> -> memref<256x16xi32, #tpu.memory_space<hbm>>
      %dma_wait3A_51 = arith.constant 0 : i32
      %dma_wait3A_52 = tpu.memref_slice %arg6[%add3A_35, %dma_wait3A_51] : memref<8192x16xi32, #tpu.memory_space<hbm>> -> memref<256x16xi32, #tpu.memory_space<hbm>>
      tpu.wait_dma2 semaphore(%run_scoped3A : memref<!tpu.dma_semaphore, #tpu.memory_space<semaphore_mem>>) src(%arg18 : memref<256x16xi32, #tpu.memory_space<vmem>>) dst(%dma_wait3A_52 : memref<256x16xi32, #tpu.memory_space<hbm>>)
      tpu.yield
    }) : () -> ()
    "tpu.region"() ({
      %run_scoped3A = tpu.sem_alloc : memref<!tpu.dma_semaphore, #tpu.memory_space<semaphore_mem>>
      %dma_start3A = arith.constant 0 : i32
      %dma_start3A_47 = tpu.memref_slice %arg7[%add3A_35, %dma_start3A] : memref<8192x32xi32, #tpu.memory_space<hbm>> -> memref<256x32xi32, #tpu.memory_space<hbm>>
      %dma_start3A_48 = arith.constant 0 : i32
      %dma_start3A_49 = tpu.memref_slice %arg7[%add3A_35, %dma_start3A_48] : memref<8192x32xi32, #tpu.memory_space<hbm>> -> memref<256x32xi32, #tpu.memory_space<hbm>>
      tpu.enqueue_dma source(%arg19 : memref<256x32xi32, #tpu.memory_space<vmem>>) target(%dma_start3A_49 : memref<256x32xi32, #tpu.memory_space<hbm>>) target_semaphore(%run_scoped3A : memref<!tpu.dma_semaphore, #tpu.memory_space<semaphore_mem>>)
      %dma_wait3A = arith.constant 0 : i32
      %dma_wait3A_50 = tpu.memref_slice %arg7[%add3A_35, %dma_wait3A] : memref<8192x32xi32, #tpu.memory_space<hbm>> -> memref<256x32xi32, #tpu.memory_space<hbm>>
      %dma_wait3A_51 = arith.constant 0 : i32
      %dma_wait3A_52 = tpu.memref_slice %arg7[%add3A_35, %dma_wait3A_51] : memref<8192x32xi32, #tpu.memory_space<hbm>> -> memref<256x32xi32, #tpu.memory_space<hbm>>
      tpu.wait_dma2 semaphore(%run_scoped3A : memref<!tpu.dma_semaphore, #tpu.memory_space<semaphore_mem>>) src(%arg19 : memref<256x32xi32, #tpu.memory_space<vmem>>) dst(%dma_wait3A_52 : memref<256x32xi32, #tpu.memory_space<hbm>>)
      tpu.yield
    }) : () -> ()
    "tpu.region"() ({
      %run_scoped3A = tpu.sem_alloc : memref<!tpu.dma_semaphore, #tpu.memory_space<semaphore_mem>>
      %dma_start3A = arith.constant 0 : i32
      %dma_start3A_47 = tpu.memref_slice %arg15[%dma_start3A] : memref<272xf32, #tpu.memory_space<vmem>> -> memref<256xf32, #tpu.memory_space<vmem>>
      %dma_start3A_48 = tpu.memref_slice %arg8[%select_n3A, %mul3A_32] : memref<4x2048xf32, #tpu.memory_space<hbm>> -> memref<1x256xf32, #tpu.memory_space<hbm>>
      %dma_start3A_49 = tpu.memref_squeeze %dma_start3A_48 : memref<1x256xf32, #tpu.memory_space<hbm>> -> memref<256xf32, #tpu.memory_space<hbm>>
      %dma_start3A_50 = tpu.memref_slice %arg8[%select_n3A, %mul3A_32] : memref<4x2048xf32, #tpu.memory_space<hbm>> -> memref<1x256xf32, #tpu.memory_space<hbm>>
      %dma_start3A_51 = tpu.memref_squeeze %dma_start3A_50 : memref<1x256xf32, #tpu.memory_space<hbm>> -> memref<256xf32, #tpu.memory_space<hbm>>
      %dma_start3A_52 = arith.constant 0 : i32
      %dma_start3A_53 = tpu.memref_slice %arg15[%dma_start3A_52] : memref<272xf32, #tpu.memory_space<vmem>> -> memref<256xf32, #tpu.memory_space<vmem>>
      tpu.enqueue_dma source(%dma_start3A_53 : memref<256xf32, #tpu.memory_space<vmem>>) target(%dma_start3A_51 : memref<256xf32, #tpu.memory_space<hbm>>) target_semaphore(%run_scoped3A : memref<!tpu.dma_semaphore, #tpu.memory_space<semaphore_mem>>)
      %dma_wait3A = arith.constant 0 : i32
      %dma_wait3A_54 = tpu.memref_slice %arg15[%dma_wait3A] : memref<272xf32, #tpu.memory_space<vmem>> -> memref<256xf32, #tpu.memory_space<vmem>>
      %dma_wait3A_55 = tpu.memref_slice %arg8[%select_n3A, %mul3A_32] : memref<4x2048xf32, #tpu.memory_space<hbm>> -> memref<1x256xf32, #tpu.memory_space<hbm>>
      %dma_wait3A_56 = tpu.memref_squeeze %dma_wait3A_55 : memref<1x256xf32, #tpu.memory_space<hbm>> -> memref<256xf32, #tpu.memory_space<hbm>>
      %dma_wait3A_57 = tpu.memref_slice %arg8[%select_n3A, %mul3A_32] : memref<4x2048xf32, #tpu.memory_space<hbm>> -> memref<1x256xf32, #tpu.memory_space<hbm>>
      %dma_wait3A_58 = tpu.memref_squeeze %dma_wait3A_57 : memref<1x256xf32, #tpu.memory_space<hbm>> -> memref<256xf32, #tpu.memory_space<hbm>>
      %dma_wait3A_59 = arith.constant 0 : i32
      %dma_wait3A_60 = tpu.memref_slice %arg15[%dma_wait3A_59] : memref<272xf32, #tpu.memory_space<vmem>> -> memref<256xf32, #tpu.memory_space<vmem>>
      tpu.wait_dma2 semaphore(%run_scoped3A : memref<!tpu.dma_semaphore, #tpu.memory_space<semaphore_mem>>) src(%dma_wait3A_60 : memref<256xf32, #tpu.memory_space<vmem>>) dst(%dma_wait3A_58 : memref<256xf32, #tpu.memory_space<hbm>>)
      tpu.yield
    }) : () -> ()
    "tpu.region"() ({
      %run_scoped3A = tpu.sem_alloc : memref<!tpu.dma_semaphore, #tpu.memory_space<semaphore_mem>>
      %dma_start3A = arith.constant 0 : i32
      %dma_start3A_47 = tpu.memref_slice %arg16[%dma_start3A] : memref<272xf32, #tpu.memory_space<vmem>> -> memref<256xf32, #tpu.memory_space<vmem>>
      %dma_start3A_48 = tpu.memref_slice %arg9[%select_n3A, %mul3A_32] : memref<4x2048xf32, #tpu.memory_space<hbm>> -> memref<1x256xf32, #tpu.memory_space<hbm>>
      %dma_start3A_49 = tpu.memref_squeeze %dma_start3A_48 : memref<1x256xf32, #tpu.memory_space<hbm>> -> memref<256xf32, #tpu.memory_space<hbm>>
      %dma_start3A_50 = tpu.memref_slice %arg9[%select_n3A, %mul3A_32] : memref<4x2048xf32, #tpu.memory_space<hbm>> -> memref<1x256xf32, #tpu.memory_space<hbm>>
      %dma_start3A_51 = tpu.memref_squeeze %dma_start3A_50 : memref<1x256xf32, #tpu.memory_space<hbm>> -> memref<256xf32, #tpu.memory_space<hbm>>
      %dma_start3A_52 = arith.constant 0 : i32
      %dma_start3A_53 = tpu.memref_slice %arg16[%dma_start3A_52] : memref<272xf32, #tpu.memory_space<vmem>> -> memref<256xf32, #tpu.memory_space<vmem>>
      tpu.enqueue_dma source(%dma_start3A_53 : memref<256xf32, #tpu.memory_space<vmem>>) target(%dma_start3A_51 : memref<256xf32, #tpu.memory_space<hbm>>) target_semaphore(%run_scoped3A : memref<!tpu.dma_semaphore, #tpu.memory_space<semaphore_mem>>)
      %dma_wait3A = arith.constant 0 : i32
      %dma_wait3A_54 = tpu.memref_slice %arg16[%dma_wait3A] : memref<272xf32, #tpu.memory_space<vmem>> -> memref<256xf32, #tpu.memory_space<vmem>>
      %dma_wait3A_55 = tpu.memref_slice %arg9[%select_n3A, %mul3A_32] : memref<4x2048xf32, #tpu.memory_space<hbm>> -> memref<1x256xf32, #tpu.memory_space<hbm>>
      %dma_wait3A_56 = tpu.memref_squeeze %dma_wait3A_55 : memref<1x256xf32, #tpu.memory_space<hbm>> -> memref<256xf32, #tpu.memory_space<hbm>>
      %dma_wait3A_57 = tpu.memref_slice %arg9[%select_n3A, %mul3A_32] : memref<4x2048xf32, #tpu.memory_space<hbm>> -> memref<1x256xf32, #tpu.memory_space<hbm>>
      %dma_wait3A_58 = tpu.memref_squeeze %dma_wait3A_57 : memref<1x256xf32, #tpu.memory_space<hbm>> -> memref<256xf32, #tpu.memory_space<hbm>>
      %dma_wait3A_59 = arith.constant 0 : i32
      %dma_wait3A_60 = tpu.memref_slice %arg16[%dma_wait3A_59] : memref<272xf32, #tpu.memory_space<vmem>> -> memref<256xf32, #tpu.memory_space<vmem>>
      tpu.wait_dma2 semaphore(%run_scoped3A : memref<!tpu.dma_semaphore, #tpu.memory_space<semaphore_mem>>) src(%dma_wait3A_60 : memref<256xf32, #tpu.memory_space<vmem>>) dst(%dma_wait3A_58 : memref<256xf32, #tpu.memory_space<hbm>>)
      tpu.yield
    }) : () -> ()
    "tpu.region"() ({
      %run_scoped3A = tpu.sem_alloc : memref<!tpu.dma_semaphore, #tpu.memory_space<semaphore_mem>>
      %dma_start3A = arith.constant 0 : i32
      %dma_start3A_47 = tpu.memref_slice %arg17[%dma_start3A] : memref<272xf32, #tpu.memory_space<vmem>> -> memref<256xf32, #tpu.memory_space<vmem>>
      %dma_start3A_48 = tpu.memref_slice %arg10[%select_n3A, %mul3A_32] : memref<4x2048xf32, #tpu.memory_space<hbm>> -> memref<1x256xf32, #tpu.memory_space<hbm>>
      %dma_start3A_49 = tpu.memref_squeeze %dma_start3A_48 : memref<1x256xf32, #tpu.memory_space<hbm>> -> memref<256xf32, #tpu.memory_space<hbm>>
      %dma_start3A_50 = tpu.memref_slice %arg10[%select_n3A, %mul3A_32] : memref<4x2048xf32, #tpu.memory_space<hbm>> -> memref<1x256xf32, #tpu.memory_space<hbm>>
      %dma_start3A_51 = tpu.memref_squeeze %dma_start3A_50 : memref<1x256xf32, #tpu.memory_space<hbm>> -> memref<256xf32, #tpu.memory_space<hbm>>
      %dma_start3A_52 = arith.constant 0 : i32
      %dma_start3A_53 = tpu.memref_slice %arg17[%dma_start3A_52] : memref<272xf32, #tpu.memory_space<vmem>> -> memref<256xf32, #tpu.memory_space<vmem>>
      tpu.enqueue_dma source(%dma_start3A_53 : memref<256xf32, #tpu.memory_space<vmem>>) target(%dma_start3A_51 : memref<256xf32, #tpu.memory_space<hbm>>) target_semaphore(%run_scoped3A : memref<!tpu.dma_semaphore, #tpu.memory_space<semaphore_mem>>)
      %dma_wait3A = arith.constant 0 : i32
      %dma_wait3A_54 = tpu.memref_slice %arg17[%dma_wait3A] : memref<272xf32, #tpu.memory_space<vmem>> -> memref<256xf32, #tpu.memory_space<vmem>>
      %dma_wait3A_55 = tpu.memref_slice %arg10[%select_n3A, %mul3A_32] : memref<4x2048xf32, #tpu.memory_space<hbm>> -> memref<1x256xf32, #tpu.memory_space<hbm>>
      %dma_wait3A_56 = tpu.memref_squeeze %dma_wait3A_55 : memref<1x256xf32, #tpu.memory_space<hbm>> -> memref<256xf32, #tpu.memory_space<hbm>>
      %dma_wait3A_57 = tpu.memref_slice %arg10[%select_n3A, %mul3A_32] : memref<4x2048xf32, #tpu.memory_space<hbm>> -> memref<1x256xf32, #tpu.memory_space<hbm>>
      %dma_wait3A_58 = tpu.memref_squeeze %dma_wait3A_57 : memref<1x256xf32, #tpu.memory_space<hbm>> -> memref<256xf32, #tpu.memory_space<hbm>>
      %dma_wait3A_59 = arith.constant 0 : i32
      %dma_wait3A_60 = tpu.memref_slice %arg17[%dma_wait3A_59] : memref<272xf32, #tpu.memory_space<vmem>> -> memref<256xf32, #tpu.memory_space<vmem>>
      tpu.wait_dma2 semaphore(%run_scoped3A : memref<!tpu.dma_semaphore, #tpu.memory_space<semaphore_mem>>) src(%dma_wait3A_60 : memref<256xf32, #tpu.memory_space<vmem>>) dst(%dma_wait3A_58 : memref<256xf32, #tpu.memory_space<hbm>>)
      tpu.yield
    }) : () -> ()
    return
  }
}

#map = affine_map<(d0, d1) -> (0, 0)>
module attributes {stable_mosaic.version = 14 : i64} {
  func.func @_gather(%arg0: i32, %arg1: i32, %arg2: memref<32768x80xf32, #tpu.memory_space<hbm>>, %arg3: memref<2048x128xi32, #tpu.memory_space<hbm>>, %arg4: memref<262144x128xf32, #tpu.memory_space<hbm>>, %arg5: memref<64x128xi32, #tpu.memory_space<vmem>>, %arg6: memref<128x80xf32, #tpu.memory_space<vmem>>, %arg7: memref<128x80xf32, #tpu.memory_space<vmem>>, %arg8: memref<!tpu.dma_semaphore, #tpu.memory_space<semaphore_mem>>, %arg9: memref<!tpu.dma_semaphore, #tpu.memory_space<semaphore_mem>>) attributes {dimension_semantics = [#tpu.dimension_semantics<core_parallel>, #tpu.dimension_semantics<subcore_parallel>], iteration_bounds = array<i64: 2, 16>, scalar_prefetch = 0 : i64, scratch_operands = 5 : i64, tpu.core_type = #tpu.core_type<sc_vector_subcore>, window_params = [{transform_indices = #map}, {transform_indices = #map}, {transform_indices = #map}]} {
    %mul3A = arith.constant 2 : i32
    %mul3A_0 = arith.muli %arg1, %mul3A : i32
    %add3A = arith.addi %mul3A_0, %arg0 : i32
    %mul3A_1 = arith.constant 64 : i32
    %mul3A_2 = arith.muli %add3A, %mul3A_1 : i32
    "tpu.region"() ({
      %run_scoped3A = tpu.sem_alloc : memref<!tpu.dma_semaphore, #tpu.memory_space<semaphore_mem>>
      %dma_start3A_15 = arith.constant 0 : i32
      %dma_start3A_16 = tpu.memref_slice %arg3[%mul3A_2, %dma_start3A_15] : memref<2048x128xi32, #tpu.memory_space<hbm>> -> memref<64x128xi32, #tpu.memory_space<hbm>>
      %dma_start3A_17 = arith.constant 0 : i32
      %dma_start3A_18 = tpu.memref_slice %arg3[%mul3A_2, %dma_start3A_17] : memref<2048x128xi32, #tpu.memory_space<hbm>> -> memref<64x128xi32, #tpu.memory_space<hbm>>
      tpu.enqueue_dma source(%dma_start3A_18 : memref<64x128xi32, #tpu.memory_space<hbm>>) target(%arg5 : memref<64x128xi32, #tpu.memory_space<vmem>>) target_semaphore(%run_scoped3A : memref<!tpu.dma_semaphore, #tpu.memory_space<semaphore_mem>>)
      %dma_wait3A = arith.constant 0 : i32
      %dma_wait3A_19 = tpu.memref_slice %arg3[%mul3A_2, %dma_wait3A] : memref<2048x128xi32, #tpu.memory_space<hbm>> -> memref<64x128xi32, #tpu.memory_space<hbm>>
      %dma_wait3A_20 = arith.constant 0 : i32
      %dma_wait3A_21 = tpu.memref_slice %arg3[%mul3A_2, %dma_wait3A_20] : memref<2048x128xi32, #tpu.memory_space<hbm>> -> memref<64x128xi32, #tpu.memory_space<hbm>>
      tpu.wait_dma2 semaphore(%run_scoped3A : memref<!tpu.dma_semaphore, #tpu.memory_space<semaphore_mem>>) src(%dma_wait3A_21 : memref<64x128xi32, #tpu.memory_space<hbm>>) dst(%arg5 : memref<64x128xi32, #tpu.memory_space<vmem>>)
      tpu.yield
    }) : () -> ()
    %mul3A_3 = arith.constant 64 : i32
    %mul3A_4 = arith.muli %add3A, %mul3A_3 : i32
    %dma_start3A = arith.constant 0 : i32
    %dma_start3A_5 = arith.constant 0 : i32
    %dma_start3A_6 = tpu.memref_slice %arg5[%dma_start3A, %dma_start3A_5] : memref<64x128xi32, #tpu.memory_space<vmem>> -> memref<1x128xi32, #tpu.memory_space<vmem>>
    %dma_start3A_7 = tpu.memref_squeeze %dma_start3A_6 : memref<1x128xi32, #tpu.memory_space<vmem>> -> memref<128xi32, #tpu.memory_space<vmem>>
    %dma_start3A_8 = arith.constant 0 : i32
    %dma_start3A_9 = arith.constant 0 : i32
    %dma_start3A_10 = tpu.memref_slice %arg2[%dma_start3A_8, %dma_start3A_9] : memref<32768x80xf32, #tpu.memory_space<hbm>> -> memref<32768x80xf32, #tpu.memory_space<hbm>>
    tpu.enqueue_indirect_dma source(%dma_start3A_10 : memref<32768x80xf32, #tpu.memory_space<hbm>>) target(%arg6 : memref<128x80xf32, #tpu.memory_space<vmem>>) offsets(%dma_start3A_7 : memref<128xi32, #tpu.memory_space<vmem>>) semaphore(%arg8 : memref<!tpu.dma_semaphore, #tpu.memory_space<semaphore_mem>>)
    %scan3A = arith.constant 0 : i32
    %scan3A_11 = arith.constant 32 : i32
    %scan3A_12 = arith.addi %scan3A, %scan3A_11 : i32
    %scan3A_13 = arith.constant 1 : i32
    scf.for %scan3A_15 = %scan3A to %scan3A_12 step %scan3A_13  : i32 {
      %mul3A_16 = arith.constant 2 : i32
      %mul3A_17 = arith.muli %scan3A_15, %mul3A_16 : i32
      %add3A_18 = arith.constant 1 : i32
      %add3A_19 = arith.addi %mul3A_17, %add3A_18 : i32
      %dma_start3A_20 = arith.constant 0 : i32
      %dma_start3A_21 = tpu.memref_slice %arg5[%add3A_19, %dma_start3A_20] : memref<64x128xi32, #tpu.memory_space<vmem>> -> memref<1x128xi32, #tpu.memory_space<vmem>>
      %dma_start3A_22 = tpu.memref_squeeze %dma_start3A_21 : memref<1x128xi32, #tpu.memory_space<vmem>> -> memref<128xi32, #tpu.memory_space<vmem>>
      %dma_start3A_23 = arith.constant 0 : i32
      %dma_start3A_24 = arith.constant 0 : i32
      %dma_start3A_25 = tpu.memref_slice %arg2[%dma_start3A_23, %dma_start3A_24] : memref<32768x80xf32, #tpu.memory_space<hbm>> -> memref<32768x80xf32, #tpu.memory_space<hbm>>
      tpu.enqueue_indirect_dma source(%dma_start3A_25 : memref<32768x80xf32, #tpu.memory_space<hbm>>) target(%arg7 : memref<128x80xf32, #tpu.memory_space<vmem>>) offsets(%dma_start3A_22 : memref<128xi32, #tpu.memory_space<vmem>>) semaphore(%arg9 : memref<!tpu.dma_semaphore, #tpu.memory_space<semaphore_mem>>)
      %dma_wait3A = arith.constant 0 : i32
      %dma_wait3A_26 = arith.constant 0 : i32
      %dma_wait3A_27 = tpu.memref_slice %arg4[%dma_wait3A, %dma_wait3A_26] : memref<262144x128xf32, #tpu.memory_space<hbm>> -> memref<128x80xf32, #tpu.memory_space<hbm>>
      %dma_wait3A_28 = arith.constant 0 : i32
      %dma_wait3A_29 = arith.constant 0 : i32
      %dma_wait3A_30 = tpu.memref_slice %arg4[%dma_wait3A_28, %dma_wait3A_29] : memref<262144x128xf32, #tpu.memory_space<hbm>> -> memref<128x80xf32, #tpu.memory_space<hbm>>
      tpu.wait_dma2 semaphore(%arg8 : memref<!tpu.dma_semaphore, #tpu.memory_space<semaphore_mem>>) src(%dma_wait3A_30 : memref<128x80xf32, #tpu.memory_space<hbm>>) dst(%arg6 : memref<128x80xf32, #tpu.memory_space<vmem>>)
      %add3A_31 = arith.addi %mul3A_4, %mul3A_17 : i32
      %mul3A_32 = arith.constant 128 : i32
      %mul3A_33 = arith.muli %add3A_31, %mul3A_32 : i32
      "tpu.region"() ({
        %run_scoped3A = tpu.sem_alloc : memref<!tpu.dma_semaphore, #tpu.memory_space<semaphore_mem>>
        %dma_start3A_49 = arith.constant 0 : i32
        %dma_start3A_50 = tpu.memref_slice %arg4[%mul3A_33, %dma_start3A_49] : memref<262144x128xf32, #tpu.memory_space<hbm>> -> memref<128x80xf32, #tpu.memory_space<hbm>>
        %dma_start3A_51 = arith.constant 0 : i32
        %dma_start3A_52 = tpu.memref_slice %arg4[%mul3A_33, %dma_start3A_51] : memref<262144x128xf32, #tpu.memory_space<hbm>> -> memref<128x80xf32, #tpu.memory_space<hbm>>
        tpu.enqueue_dma source(%arg6 : memref<128x80xf32, #tpu.memory_space<vmem>>) target(%dma_start3A_52 : memref<128x80xf32, #tpu.memory_space<hbm>>) target_semaphore(%run_scoped3A : memref<!tpu.dma_semaphore, #tpu.memory_space<semaphore_mem>>)
        %dma_wait3A_53 = arith.constant 0 : i32
        %dma_wait3A_54 = tpu.memref_slice %arg4[%mul3A_33, %dma_wait3A_53] : memref<262144x128xf32, #tpu.memory_space<hbm>> -> memref<128x80xf32, #tpu.memory_space<hbm>>
        %dma_wait3A_55 = arith.constant 0 : i32
        %dma_wait3A_56 = tpu.memref_slice %arg4[%mul3A_33, %dma_wait3A_55] : memref<262144x128xf32, #tpu.memory_space<hbm>> -> memref<128x80xf32, #tpu.memory_space<hbm>>
        tpu.wait_dma2 semaphore(%run_scoped3A : memref<!tpu.dma_semaphore, #tpu.memory_space<semaphore_mem>>) src(%arg6 : memref<128x80xf32, #tpu.memory_space<vmem>>) dst(%dma_wait3A_56 : memref<128x80xf32, #tpu.memory_space<hbm>>)
        tpu.yield
      }) : () -> ()
      %add3A_34 = arith.constant 2 : i32
      %add3A_35 = arith.addi %mul3A_17, %add3A_34 : i32
      %lt3A = arith.constant 64 : i32
      %lt3A_36 = arith.cmpi slt, %add3A_35, %lt3A : i32
      %convert_element_type3A = arith.extui %lt3A_36 : i1 to i32
      %cond3A = arith.constant 0 : i32
      %cond3A_37 = arith.cmpi ne, %convert_element_type3A, %cond3A : i32
      scf.if %cond3A_37 {
        %add3A_49 = arith.constant 2 : i32
        %add3A_50 = arith.addi %mul3A_17, %add3A_49 : i32
        %dma_start3A_51 = arith.constant 0 : i32
        %dma_start3A_52 = tpu.memref_slice %arg5[%add3A_50, %dma_start3A_51] : memref<64x128xi32, #tpu.memory_space<vmem>> -> memref<1x128xi32, #tpu.memory_space<vmem>>
        %dma_start3A_53 = tpu.memref_squeeze %dma_start3A_52 : memref<1x128xi32, #tpu.memory_space<vmem>> -> memref<128xi32, #tpu.memory_space<vmem>>
        %dma_start3A_54 = arith.constant 0 : i32
        %dma_start3A_55 = arith.constant 0 : i32
        %dma_start3A_56 = tpu.memref_slice %arg2[%dma_start3A_54, %dma_start3A_55] : memref<32768x80xf32, #tpu.memory_space<hbm>> -> memref<32768x80xf32, #tpu.memory_space<hbm>>
        tpu.enqueue_indirect_dma source(%dma_start3A_56 : memref<32768x80xf32, #tpu.memory_space<hbm>>) target(%arg6 : memref<128x80xf32, #tpu.memory_space<vmem>>) offsets(%dma_start3A_53 : memref<128xi32, #tpu.memory_space<vmem>>) semaphore(%arg8 : memref<!tpu.dma_semaphore, #tpu.memory_space<semaphore_mem>>)
      } else {
      }
      %dma_wait3A_38 = arith.constant 0 : i32
      %dma_wait3A_39 = arith.constant 0 : i32
      %dma_wait3A_40 = tpu.memref_slice %arg4[%dma_wait3A_38, %dma_wait3A_39] : memref<262144x128xf32, #tpu.memory_space<hbm>> -> memref<128x80xf32, #tpu.memory_space<hbm>>
      %dma_wait3A_41 = arith.constant 0 : i32
      %dma_wait3A_42 = arith.constant 0 : i32
      %dma_wait3A_43 = tpu.memref_slice %arg4[%dma_wait3A_41, %dma_wait3A_42] : memref<262144x128xf32, #tpu.memory_space<hbm>> -> memref<128x80xf32, #tpu.memory_space<hbm>>
      tpu.wait_dma2 semaphore(%arg9 : memref<!tpu.dma_semaphore, #tpu.memory_space<semaphore_mem>>) src(%dma_wait3A_43 : memref<128x80xf32, #tpu.memory_space<hbm>>) dst(%arg7 : memref<128x80xf32, #tpu.memory_space<vmem>>)
      %add3A_44 = arith.addi %mul3A_4, %mul3A_17 : i32
      %add3A_45 = arith.constant 1 : i32
      %add3A_46 = arith.addi %add3A_44, %add3A_45 : i32
      %mul3A_47 = arith.constant 128 : i32
      %mul3A_48 = arith.muli %add3A_46, %mul3A_47 : i32
      "tpu.region"() ({
        %run_scoped3A = tpu.sem_alloc : memref<!tpu.dma_semaphore, #tpu.memory_space<semaphore_mem>>
        %dma_start3A_49 = arith.constant 0 : i32
        %dma_start3A_50 = tpu.memref_slice %arg4[%mul3A_48, %dma_start3A_49] : memref<262144x128xf32, #tpu.memory_space<hbm>> -> memref<128x80xf32, #tpu.memory_space<hbm>>
        %dma_start3A_51 = arith.constant 0 : i32
        %dma_start3A_52 = tpu.memref_slice %arg4[%mul3A_48, %dma_start3A_51] : memref<262144x128xf32, #tpu.memory_space<hbm>> -> memref<128x80xf32, #tpu.memory_space<hbm>>
        tpu.enqueue_dma source(%arg7 : memref<128x80xf32, #tpu.memory_space<vmem>>) target(%dma_start3A_52 : memref<128x80xf32, #tpu.memory_space<hbm>>) target_semaphore(%run_scoped3A : memref<!tpu.dma_semaphore, #tpu.memory_space<semaphore_mem>>)
        %dma_wait3A_53 = arith.constant 0 : i32
        %dma_wait3A_54 = tpu.memref_slice %arg4[%mul3A_48, %dma_wait3A_53] : memref<262144x128xf32, #tpu.memory_space<hbm>> -> memref<128x80xf32, #tpu.memory_space<hbm>>
        %dma_wait3A_55 = arith.constant 0 : i32
        %dma_wait3A_56 = tpu.memref_slice %arg4[%mul3A_48, %dma_wait3A_55] : memref<262144x128xf32, #tpu.memory_space<hbm>> -> memref<128x80xf32, #tpu.memory_space<hbm>>
        tpu.wait_dma2 semaphore(%run_scoped3A : memref<!tpu.dma_semaphore, #tpu.memory_space<semaphore_mem>>) src(%arg7 : memref<128x80xf32, #tpu.memory_space<vmem>>) dst(%dma_wait3A_56 : memref<128x80xf32, #tpu.memory_space<hbm>>)
        tpu.yield
      }) : () -> ()
    }
    %scan3A_14 = arith.constant 32 : i32
    return
  }
}

#map = affine_map<(d0, d1) -> (0, 0)>
module attributes {stable_mosaic.version = 14 : i64} {
  func.func @_gather(%arg0: i32, %arg1: i32, %arg2: memref<32768x80xf32, #tpu.memory_space<hbm>>, %arg3: memref<1024x128xi32, #tpu.memory_space<hbm>>, %arg4: memref<131072x128xf32, #tpu.memory_space<hbm>>, %arg5: memref<32x128xi32, #tpu.memory_space<vmem>>, %arg6: memref<128x80xf32, #tpu.memory_space<vmem>>, %arg7: memref<128x80xf32, #tpu.memory_space<vmem>>, %arg8: memref<!tpu.dma_semaphore, #tpu.memory_space<semaphore_mem>>, %arg9: memref<!tpu.dma_semaphore, #tpu.memory_space<semaphore_mem>>) attributes {dimension_semantics = [#tpu.dimension_semantics<core_parallel>, #tpu.dimension_semantics<subcore_parallel>], iteration_bounds = array<i64: 2, 16>, scalar_prefetch = 0 : i64, scratch_operands = 5 : i64, tpu.core_type = #tpu.core_type<sc_vector_subcore>, window_params = [{transform_indices = #map}, {transform_indices = #map}, {transform_indices = #map}]} {
    %mul3A = arith.constant 2 : i32
    %mul3A_0 = arith.muli %arg1, %mul3A : i32
    %add3A = arith.addi %mul3A_0, %arg0 : i32
    %mul3A_1 = arith.constant 32 : i32
    %mul3A_2 = arith.muli %add3A, %mul3A_1 : i32
    "tpu.region"() ({
      %run_scoped3A = tpu.sem_alloc : memref<!tpu.dma_semaphore, #tpu.memory_space<semaphore_mem>>
      %dma_start3A_15 = arith.constant 0 : i32
      %dma_start3A_16 = tpu.memref_slice %arg3[%mul3A_2, %dma_start3A_15] : memref<1024x128xi32, #tpu.memory_space<hbm>> -> memref<32x128xi32, #tpu.memory_space<hbm>>
      %dma_start3A_17 = arith.constant 0 : i32
      %dma_start3A_18 = tpu.memref_slice %arg3[%mul3A_2, %dma_start3A_17] : memref<1024x128xi32, #tpu.memory_space<hbm>> -> memref<32x128xi32, #tpu.memory_space<hbm>>
      tpu.enqueue_dma source(%dma_start3A_18 : memref<32x128xi32, #tpu.memory_space<hbm>>) target(%arg5 : memref<32x128xi32, #tpu.memory_space<vmem>>) target_semaphore(%run_scoped3A : memref<!tpu.dma_semaphore, #tpu.memory_space<semaphore_mem>>)
      %dma_wait3A = arith.constant 0 : i32
      %dma_wait3A_19 = tpu.memref_slice %arg3[%mul3A_2, %dma_wait3A] : memref<1024x128xi32, #tpu.memory_space<hbm>> -> memref<32x128xi32, #tpu.memory_space<hbm>>
      %dma_wait3A_20 = arith.constant 0 : i32
      %dma_wait3A_21 = tpu.memref_slice %arg3[%mul3A_2, %dma_wait3A_20] : memref<1024x128xi32, #tpu.memory_space<hbm>> -> memref<32x128xi32, #tpu.memory_space<hbm>>
      tpu.wait_dma2 semaphore(%run_scoped3A : memref<!tpu.dma_semaphore, #tpu.memory_space<semaphore_mem>>) src(%dma_wait3A_21 : memref<32x128xi32, #tpu.memory_space<hbm>>) dst(%arg5 : memref<32x128xi32, #tpu.memory_space<vmem>>)
      tpu.yield
    }) : () -> ()
    %mul3A_3 = arith.constant 32 : i32
    %mul3A_4 = arith.muli %add3A, %mul3A_3 : i32
    %dma_start3A = arith.constant 0 : i32
    %dma_start3A_5 = arith.constant 0 : i32
    %dma_start3A_6 = tpu.memref_slice %arg5[%dma_start3A, %dma_start3A_5] : memref<32x128xi32, #tpu.memory_space<vmem>> -> memref<1x128xi32, #tpu.memory_space<vmem>>
    %dma_start3A_7 = tpu.memref_squeeze %dma_start3A_6 : memref<1x128xi32, #tpu.memory_space<vmem>> -> memref<128xi32, #tpu.memory_space<vmem>>
    %dma_start3A_8 = arith.constant 0 : i32
    %dma_start3A_9 = arith.constant 0 : i32
    %dma_start3A_10 = tpu.memref_slice %arg2[%dma_start3A_8, %dma_start3A_9] : memref<32768x80xf32, #tpu.memory_space<hbm>> -> memref<32768x80xf32, #tpu.memory_space<hbm>>
    tpu.enqueue_indirect_dma source(%dma_start3A_10 : memref<32768x80xf32, #tpu.memory_space<hbm>>) target(%arg6 : memref<128x80xf32, #tpu.memory_space<vmem>>) offsets(%dma_start3A_7 : memref<128xi32, #tpu.memory_space<vmem>>) semaphore(%arg8 : memref<!tpu.dma_semaphore, #tpu.memory_space<semaphore_mem>>)
    %scan3A = arith.constant 0 : i32
    %scan3A_11 = arith.constant 16 : i32
    %scan3A_12 = arith.addi %scan3A, %scan3A_11 : i32
    %scan3A_13 = arith.constant 1 : i32
    scf.for %scan3A_15 = %scan3A to %scan3A_12 step %scan3A_13  : i32 {
      %mul3A_16 = arith.constant 2 : i32
      %mul3A_17 = arith.muli %scan3A_15, %mul3A_16 : i32
      %add3A_18 = arith.constant 1 : i32
      %add3A_19 = arith.addi %mul3A_17, %add3A_18 : i32
      %dma_start3A_20 = arith.constant 0 : i32
      %dma_start3A_21 = tpu.memref_slice %arg5[%add3A_19, %dma_start3A_20] : memref<32x128xi32, #tpu.memory_space<vmem>> -> memref<1x128xi32, #tpu.memory_space<vmem>>
      %dma_start3A_22 = tpu.memref_squeeze %dma_start3A_21 : memref<1x128xi32, #tpu.memory_space<vmem>> -> memref<128xi32, #tpu.memory_space<vmem>>
      %dma_start3A_23 = arith.constant 0 : i32
      %dma_start3A_24 = arith.constant 0 : i32
      %dma_start3A_25 = tpu.memref_slice %arg2[%dma_start3A_23, %dma_start3A_24] : memref<32768x80xf32, #tpu.memory_space<hbm>> -> memref<32768x80xf32, #tpu.memory_space<hbm>>
      tpu.enqueue_indirect_dma source(%dma_start3A_25 : memref<32768x80xf32, #tpu.memory_space<hbm>>) target(%arg7 : memref<128x80xf32, #tpu.memory_space<vmem>>) offsets(%dma_start3A_22 : memref<128xi32, #tpu.memory_space<vmem>>) semaphore(%arg9 : memref<!tpu.dma_semaphore, #tpu.memory_space<semaphore_mem>>)
      %dma_wait3A = arith.constant 0 : i32
      %dma_wait3A_26 = arith.constant 0 : i32
      %dma_wait3A_27 = tpu.memref_slice %arg4[%dma_wait3A, %dma_wait3A_26] : memref<131072x128xf32, #tpu.memory_space<hbm>> -> memref<128x80xf32, #tpu.memory_space<hbm>>
      %dma_wait3A_28 = arith.constant 0 : i32
      %dma_wait3A_29 = arith.constant 0 : i32
      %dma_wait3A_30 = tpu.memref_slice %arg4[%dma_wait3A_28, %dma_wait3A_29] : memref<131072x128xf32, #tpu.memory_space<hbm>> -> memref<128x80xf32, #tpu.memory_space<hbm>>
      tpu.wait_dma2 semaphore(%arg8 : memref<!tpu.dma_semaphore, #tpu.memory_space<semaphore_mem>>) src(%dma_wait3A_30 : memref<128x80xf32, #tpu.memory_space<hbm>>) dst(%arg6 : memref<128x80xf32, #tpu.memory_space<vmem>>)
      %add3A_31 = arith.addi %mul3A_4, %mul3A_17 : i32
      %mul3A_32 = arith.constant 128 : i32
      %mul3A_33 = arith.muli %add3A_31, %mul3A_32 : i32
      "tpu.region"() ({
        %run_scoped3A = tpu.sem_alloc : memref<!tpu.dma_semaphore, #tpu.memory_space<semaphore_mem>>
        %dma_start3A_49 = arith.constant 0 : i32
        %dma_start3A_50 = tpu.memref_slice %arg4[%mul3A_33, %dma_start3A_49] : memref<131072x128xf32, #tpu.memory_space<hbm>> -> memref<128x80xf32, #tpu.memory_space<hbm>>
        %dma_start3A_51 = arith.constant 0 : i32
        %dma_start3A_52 = tpu.memref_slice %arg4[%mul3A_33, %dma_start3A_51] : memref<131072x128xf32, #tpu.memory_space<hbm>> -> memref<128x80xf32, #tpu.memory_space<hbm>>
        tpu.enqueue_dma source(%arg6 : memref<128x80xf32, #tpu.memory_space<vmem>>) target(%dma_start3A_52 : memref<128x80xf32, #tpu.memory_space<hbm>>) target_semaphore(%run_scoped3A : memref<!tpu.dma_semaphore, #tpu.memory_space<semaphore_mem>>)
        %dma_wait3A_53 = arith.constant 0 : i32
        %dma_wait3A_54 = tpu.memref_slice %arg4[%mul3A_33, %dma_wait3A_53] : memref<131072x128xf32, #tpu.memory_space<hbm>> -> memref<128x80xf32, #tpu.memory_space<hbm>>
        %dma_wait3A_55 = arith.constant 0 : i32
        %dma_wait3A_56 = tpu.memref_slice %arg4[%mul3A_33, %dma_wait3A_55] : memref<131072x128xf32, #tpu.memory_space<hbm>> -> memref<128x80xf32, #tpu.memory_space<hbm>>
        tpu.wait_dma2 semaphore(%run_scoped3A : memref<!tpu.dma_semaphore, #tpu.memory_space<semaphore_mem>>) src(%arg6 : memref<128x80xf32, #tpu.memory_space<vmem>>) dst(%dma_wait3A_56 : memref<128x80xf32, #tpu.memory_space<hbm>>)
        tpu.yield
      }) : () -> ()
      %add3A_34 = arith.constant 2 : i32
      %add3A_35 = arith.addi %mul3A_17, %add3A_34 : i32
      %lt3A = arith.constant 32 : i32
      %lt3A_36 = arith.cmpi slt, %add3A_35, %lt3A : i32
      %convert_element_type3A = arith.extui %lt3A_36 : i1 to i32
      %cond3A = arith.constant 0 : i32
      %cond3A_37 = arith.cmpi ne, %convert_element_type3A, %cond3A : i32
      scf.if %cond3A_37 {
        %add3A_49 = arith.constant 2 : i32
        %add3A_50 = arith.addi %mul3A_17, %add3A_49 : i32
        %dma_start3A_51 = arith.constant 0 : i32
        %dma_start3A_52 = tpu.memref_slice %arg5[%add3A_50, %dma_start3A_51] : memref<32x128xi32, #tpu.memory_space<vmem>> -> memref<1x128xi32, #tpu.memory_space<vmem>>
        %dma_start3A_53 = tpu.memref_squeeze %dma_start3A_52 : memref<1x128xi32, #tpu.memory_space<vmem>> -> memref<128xi32, #tpu.memory_space<vmem>>
        %dma_start3A_54 = arith.constant 0 : i32
        %dma_start3A_55 = arith.constant 0 : i32
        %dma_start3A_56 = tpu.memref_slice %arg2[%dma_start3A_54, %dma_start3A_55] : memref<32768x80xf32, #tpu.memory_space<hbm>> -> memref<32768x80xf32, #tpu.memory_space<hbm>>
        tpu.enqueue_indirect_dma source(%dma_start3A_56 : memref<32768x80xf32, #tpu.memory_space<hbm>>) target(%arg6 : memref<128x80xf32, #tpu.memory_space<vmem>>) offsets(%dma_start3A_53 : memref<128xi32, #tpu.memory_space<vmem>>) semaphore(%arg8 : memref<!tpu.dma_semaphore, #tpu.memory_space<semaphore_mem>>)
      } else {
      }
      %dma_wait3A_38 = arith.constant 0 : i32
      %dma_wait3A_39 = arith.constant 0 : i32
      %dma_wait3A_40 = tpu.memref_slice %arg4[%dma_wait3A_38, %dma_wait3A_39] : memref<131072x128xf32, #tpu.memory_space<hbm>> -> memref<128x80xf32, #tpu.memory_space<hbm>>
      %dma_wait3A_41 = arith.constant 0 : i32
      %dma_wait3A_42 = arith.constant 0 : i32
      %dma_wait3A_43 = tpu.memref_slice %arg4[%dma_wait3A_41, %dma_wait3A_42] : memref<131072x128xf32, #tpu.memory_space<hbm>> -> memref<128x80xf32, #tpu.memory_space<hbm>>
      tpu.wait_dma2 semaphore(%arg9 : memref<!tpu.dma_semaphore, #tpu.memory_space<semaphore_mem>>) src(%dma_wait3A_43 : memref<128x80xf32, #tpu.memory_space<hbm>>) dst(%arg7 : memref<128x80xf32, #tpu.memory_space<vmem>>)
      %add3A_44 = arith.addi %mul3A_4, %mul3A_17 : i32
      %add3A_45 = arith.constant 1 : i32
      %add3A_46 = arith.addi %add3A_44, %add3A_45 : i32
      %mul3A_47 = arith.constant 128 : i32
      %mul3A_48 = arith.muli %add3A_46, %mul3A_47 : i32
      "tpu.region"() ({
        %run_scoped3A = tpu.sem_alloc : memref<!tpu.dma_semaphore, #tpu.memory_space<semaphore_mem>>
        %dma_start3A_49 = arith.constant 0 : i32
        %dma_start3A_50 = tpu.memref_slice %arg4[%mul3A_48, %dma_start3A_49] : memref<131072x128xf32, #tpu.memory_space<hbm>> -> memref<128x80xf32, #tpu.memory_space<hbm>>
        %dma_start3A_51 = arith.constant 0 : i32
        %dma_start3A_52 = tpu.memref_slice %arg4[%mul3A_48, %dma_start3A_51] : memref<131072x128xf32, #tpu.memory_space<hbm>> -> memref<128x80xf32, #tpu.memory_space<hbm>>
        tpu.enqueue_dma source(%arg7 : memref<128x80xf32, #tpu.memory_space<vmem>>) target(%dma_start3A_52 : memref<128x80xf32, #tpu.memory_space<hbm>>) target_semaphore(%run_scoped3A : memref<!tpu.dma_semaphore, #tpu.memory_space<semaphore_mem>>)
        %dma_wait3A_53 = arith.constant 0 : i32
        %dma_wait3A_54 = tpu.memref_slice %arg4[%mul3A_48, %dma_wait3A_53] : memref<131072x128xf32, #tpu.memory_space<hbm>> -> memref<128x80xf32, #tpu.memory_space<hbm>>
        %dma_wait3A_55 = arith.constant 0 : i32
        %dma_wait3A_56 = tpu.memref_slice %arg4[%mul3A_48, %dma_wait3A_55] : memref<131072x128xf32, #tpu.memory_space<hbm>> -> memref<128x80xf32, #tpu.memory_space<hbm>>
        tpu.wait_dma2 semaphore(%run_scoped3A : memref<!tpu.dma_semaphore, #tpu.memory_space<semaphore_mem>>) src(%arg7 : memref<128x80xf32, #tpu.memory_space<vmem>>) dst(%dma_wait3A_56 : memref<128x80xf32, #tpu.memory_space<hbm>>)
        tpu.yield
      }) : () -> ()
    }
    %scan3A_14 = arith.constant 16 : i32
    return
  }
}

module attributes {stable_mosaic.version = 14 : i64} {
  func.func @_body(%arg0: i32, %arg1: memref<8192x128xf32, #tpu.memory_space<vmem>>, %arg2: memref<512x8xf32, #tpu.memory_space<vmem>>, %arg3: memref<64x80xf32, #tpu.memory_space<vmem>>, %arg4: memref<8x64xf32, #tpu.memory_space<vmem>>, %arg5: memref<1x64xf32, #tpu.memory_space<vmem>>, %arg6: memref<128x64xf32, #tpu.memory_space<vmem>>, %arg7: memref<1x128xf32, #tpu.memory_space<vmem>>, %arg8: memref<512x128xf32, #tpu.memory_space<vmem>>) attributes {dimension_semantics = [#tpu.dimension_semantics<arbitrary>], iteration_bounds = array<i64: 16>, scalar_prefetch = 0 : i64, scratch_operands = 0 : i64, tpu.core_type = #tpu.core_type<tc>, window_params = [{transform_indices = @transform_0, window_bounds = array<i64: 8192, 128>}, {transform_indices = @transform_1, window_bounds = array<i64: 512, 8>}, {pipeline_mode = #tpu.pipeline_mode<synchronous>, transform_indices = @transform_2, window_bounds = array<i64: 64, 80>}, {pipeline_mode = #tpu.pipeline_mode<synchronous>, transform_indices = @transform_3, window_bounds = array<i64: 8, 64>}, {pipeline_mode = #tpu.pipeline_mode<synchronous>, transform_indices = @transform_4, window_bounds = array<i64: 1, 64>}, {pipeline_mode = #tpu.pipeline_mode<synchronous>, transform_indices = @transform_5, window_bounds = array<i64: 128, 64>}, {pipeline_mode = #tpu.pipeline_mode<synchronous>, transform_indices = @transform_6, window_bounds = array<i64: 1, 128>}, {transform_indices = @transform_7, window_bounds = array<i64: 512, 128>}]} {
    %get3A = arith.constant 0 : index
    %get3A_0 = arith.constant 0 : index
    %get3A_1 = vector.load %arg1[%get3A, %get3A_0] : memref<8192x128xf32, #tpu.memory_space<vmem>>, vector<8192x80xf32>
    %get3A_2 = arith.constant 0 : index
    %get3A_3 = arith.constant 0 : index
    %get3A_4 = vector.load %arg3[%get3A_2, %get3A_3] : memref<64x80xf32, #tpu.memory_space<vmem>>, vector<64x80xf32>
    %dot_general3A = arith.constant dense<0.000000e+00> : vector<8192x64xf32>
    %dot_general3A_5 = tpu.matmul %get3A_1, %get3A_4, %dot_general3A {dimension_numbers = #tpu.dot_dimension_numbers<[1], [1], [0], [0], [0, 0, 1, 0], [], []>, transpose_lhs_hint = false} : vector<8192x80xf32>, vector<64x80xf32>, vector<8192x64xf32> -> vector<8192x64xf32>
    %get3A_6 = arith.constant 0 : index
    %get3A_7 = arith.constant 0 : index
    %get3A_8 = vector.load %arg5[%get3A_6, %get3A_7] : memref<1x64xf32, #tpu.memory_space<vmem>>, vector<1x64xf32>
    %get3A_9 = arith.constant 0 : index
    %get3A_10 = arith.constant 0 : index
    %get3A_11 = vector.load %arg2[%get3A_9, %get3A_10] : memref<512x8xf32, #tpu.memory_space<vmem>>, vector<512x8xf32>
    %get3A_12 = arith.constant 0 : index
    %get3A_13 = arith.constant 0 : index
    %get3A_14 = vector.load %arg4[%get3A_12, %get3A_13] : memref<8x64xf32, #tpu.memory_space<vmem>>, vector<8x64xf32>
    %dot_general3A_15 = arith.constant dense<0.000000e+00> : vector<512x64xf32>
    %dot_general3A_16 = tpu.matmul %get3A_11, %get3A_14, %dot_general3A_15 {dimension_numbers = #tpu.dot_dimension_numbers<[1], [0], [0], [1], [0, 0, 1, 1], [], []>, transpose_lhs_hint = false} : vector<512x8xf32>, vector<8x64xf32>, vector<512x64xf32> -> vector<512x64xf32>
    %sub3A = vector.broadcast %get3A_8 : vector<1x64xf32> to vector<512x64xf32>
    %sub3A_17 = arith.subf %sub3A, %dot_general3A_16 : vector<512x64xf32>
    %reshape3A = vector.shape_cast %dot_general3A_5 : vector<8192x64xf32> to vector<512x16x64xf32>
    %broadcast_in_dim3A = vector.shape_cast %sub3A_17 : vector<512x64xf32> to vector<512x1x64xf32>
    %add3A = vector.broadcast %broadcast_in_dim3A : vector<512x1x64xf32> to vector<512x16x64xf32>
    %add3A_18 = arith.addf %reshape3A, %add3A : vector<512x16x64xf32>
    %max3A = arith.constant 0.000000e+00 : f32
    %max3A_19 = vector.broadcast %max3A : f32 to vector<512x16x64xf32>
    %max3A_20 = arith.maximumf %add3A_18, %max3A_19 : vector<512x16x64xf32>
    %get3A_21 = arith.constant 0 : index
    %get3A_22 = arith.constant 0 : index
    %get3A_23 = vector.load %arg6[%get3A_21, %get3A_22] : memref<128x64xf32, #tpu.memory_space<vmem>>, vector<128x64xf32>
    %dot_general3A_24 = arith.constant dense<0.000000e+00> : vector<512x16x128xf32>
    %dot_general3A_25 = tpu.matmul %max3A_20, %get3A_23, %dot_general3A_24 {dimension_numbers = #tpu.dot_dimension_numbers<[2], [1], [0, 1], [0], [0, 0, 0, 1, 1, 0], [], []>, transpose_lhs_hint = false} : vector<512x16x64xf32>, vector<128x64xf32>, vector<512x16x128xf32> -> vector<512x16x128xf32>
    %get3A_26 = arith.constant 0 : index
    %get3A_27 = arith.constant 0 : index
    %get3A_28 = vector.load %arg7[%get3A_26, %get3A_27] : memref<1x128xf32, #tpu.memory_space<vmem>>, vector<1x128xf32>
    %broadcast_in_dim3A_29 = vector.shape_cast %get3A_28 : vector<1x128xf32> to vector<1x1x128xf32>
    %add3A_30 = vector.broadcast %broadcast_in_dim3A_29 : vector<1x1x128xf32> to vector<512x16x128xf32>
    %add3A_31 = arith.addf %dot_general3A_25, %add3A_30 : vector<512x16x128xf32>
    %max3A_32 = arith.constant 0.000000e+00 : f32
    %max3A_33 = vector.broadcast %max3A_32 : f32 to vector<512x16x128xf32>
    %max3A_34 = arith.maximumf %add3A_31, %max3A_33 : vector<512x16x128xf32>
    %reduce_max3A = arith.constant dense<0xFF800000> : vector<512x128xf32>
    %reduce_max3A_35 = vector.multi_reduction <maximumf>, %max3A_34, %reduce_max3A [1] : vector<512x16x128xf32> to vector<512x128xf32>
    %swap3A = arith.constant 0 : index
    %swap3A_36 = arith.constant 0 : index
    %swap3A_37 = vector.load %arg8[%swap3A, %swap3A_36] : memref<512x128xf32, #tpu.memory_space<vmem>>, vector<512x128xf32>
    tpu.vector_store %arg8[%swap3A, %swap3A_36], %reduce_max3A_35 {strides = array<i32>} : memref<512x128xf32, #tpu.memory_space<vmem>>, vector<512x128xf32>,
    return
  }
  func.func @transform_0(%arg0: i32) -> (i32, i32) {
    %c0_i32 = arith.constant 0 : i32
    %c0_i32_0 = arith.constant 0 : i32
    return %arg0, %c0_i32 : i32, i32
  }
  func.func @transform_1(%arg0: i32) -> (i32, i32) {
    %c0_i32 = arith.constant 0 : i32
    %c0_i32_0 = arith.constant 0 : i32
    return %arg0, %c0_i32 : i32, i32
  }
  func.func @transform_2(%arg0: i32) -> (i32, i32) {
    %c0_i32 = arith.constant 0 : i32
    %c0_i32_0 = arith.constant 0 : i32
    %c0_i32_1 = arith.constant 0 : i32
    return %c0_i32, %c0_i32_0 : i32, i32
  }
  func.func @transform_3(%arg0: i32) -> (i32, i32) {
    %c0_i32 = arith.constant 0 : i32
    %c0_i32_0 = arith.constant 0 : i32
    %c0_i32_1 = arith.constant 0 : i32
    return %c0_i32, %c0_i32_0 : i32, i32
  }
  func.func @transform_4(%arg0: i32) -> (i32, i32) {
    %c0_i32 = arith.constant 0 : i32
    %c0_i32_0 = arith.constant 0 : i32
    %c0_i32_1 = arith.constant 0 : i32
    return %c0_i32, %c0_i32_0 : i32, i32
  }
  func.func @transform_5(%arg0: i32) -> (i32, i32) {
    %c0_i32 = arith.constant 0 : i32
    %c0_i32_0 = arith.constant 0 : i32
    %c0_i32_1 = arith.constant 0 : i32
    return %c0_i32, %c0_i32_0 : i32, i32
  }
  func.func @transform_6(%arg0: i32) -> (i32, i32) {
    %c0_i32 = arith.constant 0 : i32
    %c0_i32_0 = arith.constant 0 : i32
    %c0_i32_1 = arith.constant 0 : i32
    return %c0_i32, %c0_i32_0 : i32, i32
  }
  func.func @transform_7(%arg0: i32) -> (i32, i32) {
    %c0_i32 = arith.constant 0 : i32
    %c0_i32_0 = arith.constant 0 : i32
    return %arg0, %c0_i32 : i32, i32
  }
}

module attributes {stable_mosaic.version = 14 : i64} {
  func.func @_body(%arg0: i32, %arg1: memref<8192x128xf32, #tpu.memory_space<vmem>>, %arg2: memref<256x8xf32, #tpu.memory_space<vmem>>, %arg3: memref<128x80xf32, #tpu.memory_space<vmem>>, %arg4: memref<8x128xf32, #tpu.memory_space<vmem>>, %arg5: memref<1x128xf32, #tpu.memory_space<vmem>>, %arg6: memref<256x128xf32, #tpu.memory_space<vmem>>, %arg7: memref<1x256xf32, #tpu.memory_space<vmem>>, %arg8: memref<256x256xf32, #tpu.memory_space<vmem>>) attributes {dimension_semantics = [#tpu.dimension_semantics<arbitrary>], iteration_bounds = array<i64: 32>, scalar_prefetch = 0 : i64, scratch_operands = 0 : i64, tpu.core_type = #tpu.core_type<tc>, window_params = [{transform_indices = @transform_0, window_bounds = array<i64: 8192, 128>}, {transform_indices = @transform_1, window_bounds = array<i64: 256, 8>}, {pipeline_mode = #tpu.pipeline_mode<synchronous>, transform_indices = @transform_2, window_bounds = array<i64: 128, 80>}, {pipeline_mode = #tpu.pipeline_mode<synchronous>, transform_indices = @transform_3, window_bounds = array<i64: 8, 128>}, {pipeline_mode = #tpu.pipeline_mode<synchronous>, transform_indices = @transform_4, window_bounds = array<i64: 1, 128>}, {pipeline_mode = #tpu.pipeline_mode<synchronous>, transform_indices = @transform_5, window_bounds = array<i64: 256, 128>}, {pipeline_mode = #tpu.pipeline_mode<synchronous>, transform_indices = @transform_6, window_bounds = array<i64: 1, 256>}, {transform_indices = @transform_7, window_bounds = array<i64: 256, 256>}]} {
    %get3A = arith.constant 0 : index
    %get3A_0 = arith.constant 0 : index
    %get3A_1 = vector.load %arg1[%get3A, %get3A_0] : memref<8192x128xf32, #tpu.memory_space<vmem>>, vector<8192x80xf32>
    %get3A_2 = arith.constant 0 : index
    %get3A_3 = arith.constant 0 : index
    %get3A_4 = vector.load %arg3[%get3A_2, %get3A_3] : memref<128x80xf32, #tpu.memory_space<vmem>>, vector<128x80xf32>
    %dot_general3A = arith.constant dense<0.000000e+00> : vector<8192x128xf32>
    %dot_general3A_5 = tpu.matmul %get3A_1, %get3A_4, %dot_general3A {dimension_numbers = #tpu.dot_dimension_numbers<[1], [1], [0], [0], [0, 0, 1, 0], [], []>, transpose_lhs_hint = false} : vector<8192x80xf32>, vector<128x80xf32>, vector<8192x128xf32> -> vector<8192x128xf32>
    %get3A_6 = arith.constant 0 : index
    %get3A_7 = arith.constant 0 : index
    %get3A_8 = vector.load %arg5[%get3A_6, %get3A_7] : memref<1x128xf32, #tpu.memory_space<vmem>>, vector<1x128xf32>
    %get3A_9 = arith.constant 0 : index
    %get3A_10 = arith.constant 0 : index
    %get3A_11 = vector.load %arg2[%get3A_9, %get3A_10] : memref<256x8xf32, #tpu.memory_space<vmem>>, vector<256x8xf32>
    %get3A_12 = arith.constant 0 : index
    %get3A_13 = arith.constant 0 : index
    %get3A_14 = vector.load %arg4[%get3A_12, %get3A_13] : memref<8x128xf32, #tpu.memory_space<vmem>>, vector<8x128xf32>
    %dot_general3A_15 = arith.constant dense<0.000000e+00> : vector<256x128xf32>
    %dot_general3A_16 = tpu.matmul %get3A_11, %get3A_14, %dot_general3A_15 {dimension_numbers = #tpu.dot_dimension_numbers<[1], [0], [0], [1], [0, 0, 1, 1], [], []>, transpose_lhs_hint = false} : vector<256x8xf32>, vector<8x128xf32>, vector<256x128xf32> -> vector<256x128xf32>
    %sub3A = vector.broadcast %get3A_8 : vector<1x128xf32> to vector<256x128xf32>
    %sub3A_17 = arith.subf %sub3A, %dot_general3A_16 : vector<256x128xf32>
    %reshape3A = vector.shape_cast %dot_general3A_5 : vector<8192x128xf32> to vector<256x32x128xf32>
    %broadcast_in_dim3A = vector.shape_cast %sub3A_17 : vector<256x128xf32> to vector<256x1x128xf32>
    %add3A = vector.broadcast %broadcast_in_dim3A : vector<256x1x128xf32> to vector<256x32x128xf32>
    %add3A_18 = arith.addf %reshape3A, %add3A : vector<256x32x128xf32>
    %max3A = arith.constant 0.000000e+00 : f32
    %max3A_19 = vector.broadcast %max3A : f32 to vector<256x32x128xf32>
    %max3A_20 = arith.maximumf %add3A_18, %max3A_19 : vector<256x32x128xf32>
    %get3A_21 = arith.constant 0 : index
    %get3A_22 = arith.constant 0 : index
    %get3A_23 = vector.load %arg6[%get3A_21, %get3A_22] : memref<256x128xf32, #tpu.memory_space<vmem>>, vector<256x128xf32>
    %dot_general3A_24 = arith.constant dense<0.000000e+00> : vector<256x32x256xf32>
    %dot_general3A_25 = tpu.matmul %max3A_20, %get3A_23, %dot_general3A_24 {dimension_numbers = #tpu.dot_dimension_numbers<[2], [1], [0, 1], [0], [0, 0, 0, 1, 1, 0], [], []>, transpose_lhs_hint = false} : vector<256x32x128xf32>, vector<256x128xf32>, vector<256x32x256xf32> -> vector<256x32x256xf32>
    %get3A_26 = arith.constant 0 : index
    %get3A_27 = arith.constant 0 : index
    %get3A_28 = vector.load %arg7[%get3A_26, %get3A_27] : memref<1x256xf32, #tpu.memory_space<vmem>>, vector<1x256xf32>
    %broadcast_in_dim3A_29 = vector.shape_cast %get3A_28 : vector<1x256xf32> to vector<1x1x256xf32>
    %add3A_30 = vector.broadcast %broadcast_in_dim3A_29 : vector<1x1x256xf32> to vector<256x32x256xf32>
    %add3A_31 = arith.addf %dot_general3A_25, %add3A_30 : vector<256x32x256xf32>
    %max3A_32 = arith.constant 0.000000e+00 : f32
    %max3A_33 = vector.broadcast %max3A_32 : f32 to vector<256x32x256xf32>
    %max3A_34 = arith.maximumf %add3A_31, %max3A_33 : vector<256x32x256xf32>
    %reduce_max3A = arith.constant dense<0xFF800000> : vector<256x256xf32>
    %reduce_max3A_35 = vector.multi_reduction <maximumf>, %max3A_34, %reduce_max3A [1] : vector<256x32x256xf32> to vector<256x256xf32>
    %swap3A = arith.constant 0 : index
    %swap3A_36 = arith.constant 0 : index
    %swap3A_37 = vector.load %arg8[%swap3A, %swap3A_36] : memref<256x256xf32, #tpu.memory_space<vmem>>, vector<256x256xf32>
    tpu.vector_store %arg8[%swap3A, %swap3A_36], %reduce_max3A_35 {strides = array<i32>} : memref<256x256xf32, #tpu.memory_space<vmem>>, vector<256x256xf32>,
    return
  }
  func.func @transform_0(%arg0: i32) -> (i32, i32) {
    %c0_i32 = arith.constant 0 : i32
    %c0_i32_0 = arith.constant 0 : i32
    return %arg0, %c0_i32 : i32, i32
  }
  func.func @transform_1(%arg0: i32) -> (i32, i32) {
    %c0_i32 = arith.constant 0 : i32
    %c0_i32_0 = arith.constant 0 : i32
    return %arg0, %c0_i32 : i32, i32
  }
  func.func @transform_2(%arg0: i32) -> (i32, i32) {
    %c0_i32 = arith.constant 0 : i32
    %c0_i32_0 = arith.constant 0 : i32
    %c0_i32_1 = arith.constant 0 : i32
    return %c0_i32, %c0_i32_0 : i32, i32
  }
  func.func @transform_3(%arg0: i32) -> (i32, i32) {
    %c0_i32 = arith.constant 0 : i32
    %c0_i32_0 = arith.constant 0 : i32
    %c0_i32_1 = arith.constant 0 : i32
    return %c0_i32, %c0_i32_0 : i32, i32
  }
  func.func @transform_4(%arg0: i32) -> (i32, i32) {
    %c0_i32 = arith.constant 0 : i32
    %c0_i32_0 = arith.constant 0 : i32
    %c0_i32_1 = arith.constant 0 : i32
    return %c0_i32, %c0_i32_0 : i32, i32
  }
  func.func @transform_5(%arg0: i32) -> (i32, i32) {
    %c0_i32 = arith.constant 0 : i32
    %c0_i32_0 = arith.constant 0 : i32
    %c0_i32_1 = arith.constant 0 : i32
    return %c0_i32, %c0_i32_0 : i32, i32
  }
  func.func @transform_6(%arg0: i32) -> (i32, i32) {
    %c0_i32 = arith.constant 0 : i32
    %c0_i32_0 = arith.constant 0 : i32
    %c0_i32_1 = arith.constant 0 : i32
    return %c0_i32, %c0_i32_0 : i32, i32
  }
  func.func @transform_7(%arg0: i32) -> (i32, i32) {
    %c0_i32 = arith.constant 0 : i32
    %c0_i32_0 = arith.constant 0 : i32
    return %arg0, %c0_i32 : i32, i32
  }
}

</mosaic_0001>

<sc_bundles>
// kernel: kernel.10.cloned.1.call-start
scs
__scs_entry_jumppad:
0x0: {  	(pc) =	sbr.rel $0x88, $3  }
0x1: {  	(tag) =	ssettag $0x0;
	lr =	simm.s32 $0x1  }
0x2: {  	[smem:$0x3F96] =	sst lr;
	_ =	strace $0xD0000000  }
0x3: {  	_ = 	snop  }
0x4: {  	_ = 	snop  }
0x5: {  	_ = 	snop  }
0x6: {  	_ = 	snop  }
0x7: {  	_ = 	snop  }
__scs_overlays_trampoline_lowered:
0x8: {  	[smem:$0x3FA5] =	sst s0  }
0x9: {  	[smem:$0x3FA6] =	sst s1  }
0xa: {  	[smem:$0x3FA7] =	sst s2  }
0xb: {  	[smem:$0x3FA8] =	sst s3  }
0xc: {  	[smem:$0x3FA9] =	sst s4  }
0xd: {  	[smem:$0x3FAA] =	sst s5  }
0xe: {  	[smem:$0x3FAB] =	sst s6  }
0xf: {  	[smem:$0x3FAC] =	sst s7  }
0x10: {  	[smem:$0x3FAD] =	sst s8  }
0x11: {  	[smem:$0x3FAE] =	sst s9;
	s0 =	simm.s32 @!p0 $0x0  }
0x12: {  	s1 =	sld [smem:$0x3F94];
	s0 =	simm.s32 @p0 $0x1  }
0x13: {  	[smem:$0x3FAF] =	sst s0;
	s0 =	simm.s32 @!p1 $0x0  }
0x14: {  	s2 =	sld [smem:$0x3F93];
	s0 =	simm.s32 @p1 $0x1  }
0x15: {  	[smem:$0x3FB0] =	sst s0;
	s0 =	simm.s32 @!p2 $0x0  }
0x16: {  	s3 =	sld [smem:$0x3FDB];
	s0 =	simm.s32 @p2 $0x1  }
0x17: {  	s4 =	simm.s32 $0x1BF5;
	[smem:$0x3FB2] =	sst s0  }
0x18: {  	s0 =	sld [smem:$0x3F95];
	_ =	swait.ge [sflag:s4], $0x0  }
0x19: {  	s7 =	sld [smem:$0x3F96]  }
0x1a: {  	s8 =	sadd.s32 $0xFFFFE003, lr  }
0x1b: {  	s9 =	sadd.s32 $0xFFFFFEF7, lr;
	s5 =	simm.s32 $0xFFFFFFFF;
	p2 =	slt.u32 s8, $0xFFFFF086  }
0x1c: {  	p1 =	slt.u32 s9, $0xF7A;
	s5 =	simm.s32 @!p2 $0x0  }
0x1d: {  	s5 =	simm.s32 @p1 $0x1;
	p0 =	seq.s32 s7, s2  }
0x1e: {  	s7 =	smul.u32 @!p0 $0xF7A, s2;
	p2 =	seq.s32 @!p0 s5, $0x0  }
0x1f: {  	s9 =	smul.u32 $0xF7A, s1;
	s8 =	simm.s32 @!p0 $0x1BF5;
	p2 =	por !p2, p0  }
0x20: {  	[sflag:s8] =	ssyncset.s32 @!p0 $0xFFFFF086;
	s6 =	sadd.s32 @!p0 s3, s7;
	s7 =	simm.s32 @!p0 $0x108  }
0x21: {  	s3 =	sadd.s32 s3, s9;
	s6 =	sadd.s32 @!p0 $0x88, s6;
	s7 =	simm.s32 @p2 $0x1082  }
0x22: {  	[simem:s7], [sflag:s8] =	dma.local @!p0 [hbm:s6], $0xF7A  }
0x23: {  	s9 =	sor.u32 $0xD0000000, s2;
	s6 =	simm.s32 $0x108;
	_ =	swait.ge @!p0 [sflag:s8], $0x0  }
0x24: {  	s3 =	sadd.s32 $0x88, s3;
	s6 =	simm.s32 @!p1 $0x1082;
	[sflag:s4] =	ssyncset.s32 $0xFFFFF086  }
0x25: {  	[simem:s6], [sflag:s4] =	dma.local [hbm:s3], $0xF7A  }
0x26: {  	[smem:$0x3F96] =	sst s1;
	(tag) =	ssettag s2;
	_ =	strace s9  }
0x27: {  	s1 =	sld [smem:$0x3FA6]  }
0x28: {  	s2 =	sld [smem:$0x3FA7]  }
0x29: {  	s4 =	sld [smem:$0x3FA9]  }
0x2a: {  	p0 =	seq.s32 s5, $0x0;
	s5 =	sld [smem:$0x3FAA]  }
0x2b: {  	s6 =	sld [smem:$0x3FAB]  }
0x2c: {  	s7 =	sld [smem:$0x3FAC]  }
0x2d: {  	s3 =	simm.s32 $0x108;
	s8 =	sld [smem:$0x3FAD]  }
0x2e: {  	s3 =	simm.s32 @!p0 $0x1082;
	s9 =	sld [smem:$0x3FAE]  }
0x2f: {  	lr =	sadd.s32 s0, s3;
	s0 =	sld [smem:$0x3FA5]  }
0x30: {  	s3 =	sld [smem:$0x3FA8]  }
0x31: {  	[smem:$0x3FB1] =	sst s10  }
0x32: {  	s10 =	sld [smem:$0x3FAF];
	_ =	sdelay $0x3  }
0x33: {  	p0 =	seq.s32 s10, $0x1;
	s10 =	sld [smem:$0x3FB1];
	_ =	sdelay $0x3  }
0x34: {  	[smem:$0x3FB1] =	sst s10  }
0x35: {  	s10 =	sld [smem:$0x3FB0];
	_ =	sdelay $0x3  }
0x36: {  	p1 =	seq.s32 s10, $0x1;
	s10 =	sld [smem:$0x3FB1];
	_ =	sdelay $0x3  }
0x37: {  	[smem:$0x3FB1] =	sst s10  }
0x38: {  	s10 =	sld [smem:$0x3FB2]  }
0x39: {  	_ = 	snop;
	(pc) =	sbr.ind lr, $3  }
0x3a: {  	_ = 	snop  }
0x3b: {  	_ = 	snop  }
0x3c: {  	p2 =	seq.s32 s10, $0x1;
	s10 =	sld [smem:$0x3FB1]  }
0x3d: {  	_ =	shalt  }
0x3e: {  	_ =	shalt  }
0x3f: {  	_ =	shalt  }
0x40: {  	_ =	shalt  }
0x41: {  	_ =	shalt  }
0x42: {  	_ =	shalt  }
0x43: {  	_ =	shalt  }
0x44: {  	_ =	shalt  }
0x45: {  	_ =	shalt  }
0x46: {  	_ =	shalt  }
0x47: {  	_ =	shalt  }
0x48: {  	_ =	shalt  }
0x49: {  	_ =	shalt  }
0x4a: {  	_ =	shalt  }
0x4b: {  	_ =	shalt  }
0x4c: {  	_ =	shalt  }
0x4d: {  	_ =	shalt  }
0x4e: {  	_ =	shalt  }
0x4f: {  	_ =	shalt  }
0x50: {  	_ =	shalt  }
0x51: {  	_ =	shalt  }
0x52: {  	_ =	shalt  }
0x53: {  	_ =	shalt  }
0x54: {  	_ =	shalt  }
0x55: {  	_ =	shalt  }
0x56: {  	_ =	shalt  }
0x57: {  	_ =	shalt  }
0x58: {  	_ =	shalt  }
0x59: {  	_ =	shalt  }
0x5a: {  	_ =	shalt  }
0x5b: {  	_ =	shalt  }
0x5c: {  	_ =	shalt  }
0x5d: {  	_ =	shalt  }
0x5e: {  	_ =	shalt  }
0x5f: {  	_ =	shalt  }
0x60: {  	_ =	shalt  }
0x61: {  	_ =	shalt  }
0x62: {  	_ =	shalt  }
0x63: {  	_ =	shalt  }
0x64: {  	_ =	shalt  }
0x65: {  	_ =	shalt  }
0x66: {  	_ =	shalt  }
0x67: {  	_ =	shalt  }
0x68: {  	_ =	shalt  }
0x69: {  	_ =	shalt  }
0x6a: {  	_ =	shalt  }
0x6b: {  	_ =	shalt  }
0x6c: {  	_ =	shalt  }
0x6d: {  	_ =	shalt  }
0x6e: {  	_ =	shalt  }
0x6f: {  	_ =	shalt  }
0x70: {  	_ =	shalt  }
0x71: {  	_ =	shalt  }
0x72: {  	_ =	shalt  }
0x73: {  	_ =	shalt  }
0x74: {  	_ =	shalt  }
0x75: {  	_ =	shalt  }
0x76: {  	_ =	shalt  }
0x77: {  	_ =	shalt  }
0x78: {  	_ =	shalt  }
0x79: {  	_ =	shalt  }
0x7a: {  	_ =	shalt  }
0x7b: {  	_ =	shalt  }
0x7c: {  	_ =	shalt  }
0x7d: {  	_ =	shalt  }
0x7e: {  	_ =	shalt  }
0x7f: {  	_ =	shalt  }
0x80: {  	_ =	shalt  }
0x81: {  	_ =	shalt  }
0x82: {  	_ =	shalt  }
0x83: {  	_ =	shalt  }
0x84: {  	_ =	shalt  }
0x85: {  	_ =	shalt  }
0x86: {  	_ =	shalt  }
0x87: {  	_ =	shalt  }
.Lfunc_end0:
.L_simem_size_0:
called_computation.1_lowered:
.L_overlay_start_0:
0x88: {  	s2 =	sld [smem:$0x3FD9]  }
0x89: {  	s3 =	sld [smem:$0x3FFE];
	_ =	sdelay $0x1  }
0x8a: {  	s1 =	srdreg.scid  }
0x8b: {  	s0 =	sand.u32 $0x1, s1  }
0x8c: {  	s15 =	sshll.u32 s0, $0xA;
	s2 =	sadd.s32 s3, s2  }
0x8d: {  	s2 =	sadd.s32 s2, s15  }
0x8e: {  	[smem:$0x3FBD] =	sst s2  }
0x8f: {  	_ = 	snop  }
0x90: {  	s2 =	sld [smem:$0x3FD0];
	_ =	sdelay $0x2  }
0x91: {  	s16 =	simm.s32 $0xB;
	s4 =	simm.s32 $0x10  }
0x92: {  	[smem:s4], [sflag:s16] =	dma.local [hbm:s2], $0x1  }
0x93: {  	_ =	swait.eq [sflag:s16], $0x1  }
0x94: {  	[sflag:s16] =	ssyncset.done $0x0  }
0x95: {  	[sflag:s16] =	ssyncadd.s32 $0xFFFFFFFF  }
0x96: {  	s17 =	sld [smem:$0x11];
	(tm) =	ssettm $0x1  }
0x97: {  	s18 =	sld [smem:$0x3FFB];
	_ =	sdelay $0x3  }
0x98: {  	_ =	strace s18  }
0x99: {  	s2 =	sld [smem:$0x3FFC];
	_ =	sdelay $0x3  }
0x9a: {  	_ =	strace s2  }
0x9b: {  	s2 =	sld [smem:$0x3FFD];
	_ =	sdelay $0x3  }
0x9c: {  	_ =	strace s2  }
0x9d: {  	_ =	strace $0x8FFFFFFF  }
0x9e: {  	s19 =	sld [smem:$0x3FDB];
	_ =	sdelay $0x1  }
0x9f: {  	s20 =	simm.s32 $_scs_section_size  }
0xa0: {  	s5 =	simm.s32 $_size__tile_overlayer_lowered;
	s6 =	simm.s32 $_tile_overlayer_lowered  }
0xa1: {  	s7 =	simm.s32 $0x1BFF;
	s21 =	sshll.u32 s6, $0x1;
	s4 =	sadd.s32 s20, s19  }
0xa2: {  	s22 =	simm.s32 $0x0;
	s5 =	sshll.u32 s5, $0x1;
	s6 =	sadd.s32 s21, s4  }
0xa3: {  	[timem:s22], [sflag:s7] =	dma.local [hbm:s6], s5  }
0xa4: {  	_ =	swait.ge [sflag:s7], s5  }
0xa5: {  	s5 =	ssub.s32 $0x0, s5;
	[sflag:s7] =	ssyncset.done $0x0  }
0xa6: {  	[sflag:s7] =	ssyncadd.s32 s5;
	_ =	sdelay $0x1  }
0xa7: {  	s23 =	simm.s32 $0x1B8B  }
0xa8: {  	_ =	swait.ge [sflag:s23], $0x1  }
0xa9: {  	[sflag:s23] =	ssyncset.done $0x0  }
0xaa: {  	[sflag:s23] =	ssyncadd.s32 $0xFFFFFFFF  }
0xab: {  	s5 =	sld [smem:$0x0]  }
0xac: {  	s6 =	sand.u32 $0xFFFFFFFE, s1  }
0xad: {  	p0 =	sne.s32 s1, s6  }
0xae: {  	s6 =	sshll.u32 @p0 s6, $0xE  }
0xaf: {  	s6 =	sadd.s32 @p0 $0x11B8D, s6;
	s7 =	sshll.u32 @p0 s5, $0x11  }
0xb0: {  	s6 =	sor.u32 @p0 s7, s6  }
0xb1: {  	[sflag:s6] =	ssyncadd.remote.s32 @p0 $0x1;
	_ =	sdelay $0x1  }
0xb2: {  	s6 =	simm.s32 @p0 $0x1B8D  }
0xb3: {  	_ =	swait.eq @p0 [sflag:s6], $0x1  }
0xb4: {  	[sflag:s6] =	ssyncadd.s32 @p0 $0xFFFFFFFF  }
0xb5: {  	s7 =	sshll.u32 @!p0 s1, $0xE  }
0xb6: {  	s7 =	sor.u32 @!p0 $0x4000, s7;
	s6 =	simm.s32 @!p0 $0x1B8D  }
0xb7: {  	s5 =	sshll.u32 @!p0 s5, $0x11;
	s7 =	sadd.s32 @!p0 $0x11B8D, s7;
	_ =	swait.eq @!p0 [sflag:s6], $0x1  }
0xb8: {  	s5 =	sor.u32 @!p0 s5, s7;
	[sflag:s6] =	ssyncadd.s32 @!p0 $0xFFFFFFFF  }
0xb9: {  	s25 =	simm.s32 $0x1B8E;
	s24 =	sld [smem:$0x3FFE];
	[sflag:s5] =	ssyncadd.remote.s32 @!p0 $0x1  }
0xba: {  	s26 =	simm.s32 $execute0_lowered;
	[smem:$0x3FD2] =	sst s25  }
0xbb: {  	s6 =	sshll.u32 s26, $0x1;
	_ =	strace $0x8000004C;
	[dreg:$0x1] =	wrdreg $0xFFFFFFFF  }
0xbc: {  	s28 =	simm.s32 $_size_execute0_lowered;
	s4 =	sadd.s32 s4, s6;
	[dreg:$0x0] =	wrdreg $0x0  }
0xbd: {  	s6 =	sshll.u32 s28, $0x1;
	[dreg:$0x2] =	wrdreg s4  }
0xbe: {  	[dreg:$0x3] =	wrdreg s6  }
0xbf: {  	[dreg:$0x4] =	wrdreg $0xC0  }
0xc0: {  	_ =	task [dreg:s22], $0x5FFFF  }
0xc1: {  	[dreg:$0x1] =	wrdreg $0xFFFFFFFF  }
0xc2: {  	[dreg:$0x0] =	wrdreg $0x60  }
0xc3: {  	[dreg:$0x2] =	wrdreg s17  }
0xc4: {  	[dreg:$0x3] =	wrdreg s24  }
0xc5: {  	[dreg:$0x4] =	wrdreg $0x9  }
0xc6: {  	_ =	task.clear_ibuf [dreg:s22], $0x5FFFF;
	_ =	strace $0x9000004C  }
0xc7: {  	s29 =	simm.s32 $0x9;
	_ =	strace $0x8000004E  }
0xc8: {  	_ =	swait.ge [sflag:s29], $0x1  }
0xc9: {  	[sflag:s29] =	ssyncadd.s32 $0xFFFFFFFF  }
0xca: {  	_ =	strace $0x9000004E  }
0xcb: {  	_ =	sfence  }
0xcc: {  	s30 =	sld [smem:$0x0];
	_ =	sdelay $0x2  }
0xcd: {  	s31 =	sshll.u32 s1, $0xD;
	s1 =	sshrl.u32 s1, $0x2  }
0xce: {  	s4 =	sand.u32 $0x4000, s31;
	s1 =	sadd.s32 s1, s30  }
0xcf: {  	s0 =	sor.u32 s4, s0;
	s1 =	sshll.u32 s1, $0x11  }
0xd0: {  	s0 =	sor.u32 s1, s0  }
0xd1: {  	s0 =	sadd.s32 $0x8F2B, s0  }
0xd2: {  	[sflag:s0] =	ssyncadd.remote.s32 $0x1  }
0xd3: {  	_ =	sfence.sel $0xFFFF  }
0xd4: {  	[dreg:$0x0] =	wrdreg $0xFFFFFFFF;
	(pc) =	sbr.abs _section_cstart, $3  }
0xd5: {  	[dreg:$0x1] =	wrdreg $0xFFFFFFFF  }
0xd6: {  	_ =	task.clear_ibuf [dreg:s22], $0x2FFFF;
	_ =	strace $0x9FFFFFFF  }
0xd7: {  	(tm) =	ssettm $0x7FFFFFFF  }
tec
execute0_lowered:
.L_overlay_start_1:
0x0: {  	(tag) =	ssettag $0x1  }
0x1: {  	s1 =	srdreg.scid;
	s2 =	rddreg [dreg:$0x0]  }
0x2: {  	s0 =	stileid.u32;
	s4 =	rddreg [dreg:$0x1]  }
0x3: {  	s3 =	simm.s32 $0x0;
	s11 =	simm.s32 $0x2000;
	s12 =	simm.s32 $0x4800  }
0x4: {  	s13 =	simm.s32 $0x1;
	s14 =	simm.s32 $0x50;
	s15 =	simm.s32 $0x2  }
0x5: {  	s16 =	simm.s32 $0x1F80;
	s6 =	sand.u32 $0x1, s1;
	s1 =	rddreg [dreg:$0x2]  }
0x6: {  	s17 =	simm.s32 $0x0;
	s5 =	sshll.u32 s0, $0x7;
	[smem:$0x7FF] =	sst s3  }
0x7: {  	s10 =	sadd.s32 $0x24A000, s4;
	s30 =	sshll.u32 s0, $0x12;
	s7 =	sshll.u32 s6, $0x6  }
0x8: {  	s8 =	ssub.s32 $0x2, s6;
	_ =	strace $0x8000004D;
	s5 =	sor.u32 s7, s5  }
0x9: {  	s31 =	sshll.u32 s6, $0x11;
	s9 =	sshrl.u32 s8, $0x1;
	s7 =	sshll.u32 s5, $0x4  }
0xa: {  	s8 =	ssub.s32 s8, s9;
	s29 =	sshll.u32 s5, $0xB;
	s9 =	simm.s32 $0x3  }
0xb: {  	s7 =	sadd.s32 s7, s4;
	s5 =	smax.u32 s8, $0x1;
	s8 =	sadd.s32 s30, s10  }
0xc: {  	s4 =	sadd.s32 $0x2C00, s7;
	s7 =	sadd.s32 s29, s10;
	s8 =	sadd.s32 s31, s8  }
0xd: {  	s10 =	simm.s32 $0x80;
	s6 =	sadd.s32 $0x1F000, s7;
	s7 =	sadd.s32 $0x1F800, s7  }
.LBB2_1:
0xe: {  	[tilespmem:s3], [sflag:$0x3] =	stream.linear.gather [hbm4b:s4+s3], $0x2000, $0x38;
	[tilespmem:$0x7000] =	vst v63  }
0xf: {  	_ =	swait.ge [sflag:s9], $0x2000  }
0x10: {  	[sflag:s9] =	ssyncset.done $0x0  }
0x11: {  	[sflag:s9] =	ssyncadd.s32 $0xFFFFE000  }
0x12: {  	[tilespmem:s11], [sflag:$0x1] =	stream.indirect.gather [hbm4b:s2+s10], $0x50, s3, s10, $0xb8;
	[tilespmem:$0x7000] =	vst v63  }
0x13: {  	s18 =	simm.s32 $0x80  }
0x14: {  	[tilespmem:s12], [sflag:$0x2] =	stream.indirect.gather [hbm4b:s2+s10], $0x50, s18, s10, $0xb8;
	[tilespmem:$0x7000] =	vst v63  }
0x15: {  	_ =	swait.ge [sflag:s13], $0x2800  }
0x16: {  	[sflag:s13] =	ssyncset.done $0x0  }
0x17: {  	s31 =	sadd.s32 $0x0, s8;
	[sflag:s13] =	ssyncadd.s32 $0xFFFFD800  }
0x18: {  	[hbm4b:s31+s14] =	stream.strided.scatter [tilespmem:s11], [sflag:$0x3], $0x2800, s10, s14, $0x38;
	[tilespmem:$0x7000] =	vst v63  }
0x19: {  	_ =	swait.ge [sflag:s9], $0x2800  }
0x1a: {  	[sflag:s9] =	ssyncset.done $0x0  }
0x1b: {  	s19 =	simm.s32 $0x100;
	[sflag:s9] =	ssyncadd.s32 $0xFFFFD800  }
0x1c: {  	[tilespmem:s11], [sflag:$0x1] =	stream.indirect.gather [hbm4b:s2+s10], $0x50, s19, s10, $0xb8;
	[tilespmem:$0x7000] =	vst v63  }
0x1d: {  	_ =	swait.ge [sflag:s15], $0x2800  }
0x1e: {  	[sflag:s15] =	ssyncset.done $0x0  }
0x1f: {  	s18 =	sadd.s32 $0x800, s31;
	[sflag:s15] =	ssyncadd.s32 $0xFFFFD800  }
0x20: {  	[hbm4b:s18+s14] =	stream.strided.scatter [tilespmem:s12], [sflag:$0x3], $0x2800, s10, s14, $0x38;
	[tilespmem:$0x7000] =	vst v63  }
0x21: {  	s20 =	simm.s32 $0x2000;
	_ =	swait.ge [sflag:s9], $0x2800  }
0x22: {  	s19 =	simm.s32 $0x1000;
	s18 =	simm.s32 $0x200;
	[sflag:s9] =	ssyncset.done $0x0  }
.LBB2_2:
0x23: {  	p0 =	sne.s32 s20, $0x1E000;
	s21 =	sadd.s32 $0xFFFFFF80, s18;
	[sflag:s9] =	ssyncadd.s32 $0xFFFFD800  }
0x24: {  	[tilespmem:s12], [sflag:$0x2] =	stream.indirect.gather [hbm4b:s2+s10], $0x50, s21, s10, $0xb8;
	[tilespmem:$0x7000] =	vst v63  }
0x25: {  	s21 =	smov.u32 s20;
	s20 =	sadd.s32 $0x1000, s20;
	_ =	swait.ge [sflag:s13], $0x2800  }
0x26: {  	[sflag:s13] =	ssyncset.done $0x0  }
0x27: {  	s22 =	sadd.s32 s19, s8;
	s19 =	smov.u32 s21;
	[sflag:s13] =	ssyncadd.s32 $0xFFFFD800  }
0x28: {  	[hbm4b:s22+s14] =	stream.strided.scatter [tilespmem:s11], [sflag:$0x3], $0x2800, s10, s14, $0x38;
	[tilespmem:$0x7000] =	vst v63  }
0x29: {  	_ =	swait.ge [sflag:s9], $0x2800  }
0x2a: {  	[sflag:s9] =	ssyncset.done $0x0  }
0x2b: {  	[sflag:s9] =	ssyncadd.s32 $0xFFFFD800  }
0x2c: {  	[tilespmem:s11], [sflag:$0x1] =	stream.indirect.gather [hbm4b:s2+s10], $0x50, s18, s10, $0xb8;
	[tilespmem:$0x7000] =	vst v63  }
0x2d: {  	_ =	swait.ge [sflag:s15], $0x2800  }
.Ltmp0:
0x2e: {  	[sflag:s15] =	ssyncset.done $0x0;
	(pc) =	sbr.rel @p0 .LBB2_2-.Ltmp0, $4  }
0x2f: {  	s21 =	sadd.s32 $0x800, s22;
	[sflag:s15] =	ssyncadd.s32 $0xFFFFD800  }
0x30: {  	[hbm4b:s21+s14] =	stream.strided.scatter [tilespmem:s12], [sflag:$0x3], $0x2800, s10, s14, $0x38;
	[tilespmem:$0x7000] =	vst v63  }
0x31: {  	_ =	swait.ge [sflag:s9], $0x2800  }
0x32: {  	s18 =	sadd.s32 $0x100, s18;
	[sflag:s9] =	ssyncset.done $0x0  }
0x33: {  	s20 =	sadd.s32 $0xFFFFFF80, s18;
	[sflag:s9] =	ssyncadd.s32 $0xFFFFD800  }
0x34: {  	[tilespmem:s12], [sflag:$0x2] =	stream.indirect.gather [hbm4b:s2+s10], $0x50, s20, s10, $0xb8;
	[tilespmem:$0x7000] =	vst v63  }
0x35: {  	_ =	swait.ge [sflag:s13], $0x2800  }
0x36: {  	[sflag:s13] =	ssyncset.done $0x0  }
0x37: {  	s19 =	sadd.s32 s19, s8;
	[sflag:s13] =	ssyncadd.s32 $0xFFFFD800  }
0x38: {  	[hbm4b:s19+s14] =	stream.strided.scatter [tilespmem:s11], [sflag:$0x3], $0x2800, s10, s14, $0x38;
	[tilespmem:$0x7000] =	vst v63  }
0x39: {  	_ =	swait.ge [sflag:s9], $0x2800  }
0x3a: {  	[sflag:s9] =	ssyncset.done $0x0  }
0x3b: {  	[sflag:s9] =	ssyncadd.s32 $0xFFFFD800  }
0x3c: {  	[tilespmem:s11], [sflag:$0x1] =	stream.indirect.gather [hbm4b:s2+s10], $0x50, s18, s10, $0xb8;
	[tilespmem:$0x7000] =	vst v63  }
0x3d: {  	_ =	swait.ge [sflag:s15], $0x2800  }
0x3e: {  	[sflag:s15] =	ssyncset.done $0x0  }
0x3f: {  	s31 =	sadd.s32 $0x800, s19;
	[sflag:s15] =	ssyncadd.s32 $0xFFFFD800  }
0x40: {  	[hbm4b:s31+s14] =	stream.strided.scatter [tilespmem:s12], [sflag:$0x3], $0x2800, s10, s14, $0x38;
	[tilespmem:$0x7000] =	vst v63  }
0x41: {  	_ =	swait.ge [sflag:s9], $0x2800  }
0x42: {  	[sflag:s9] =	ssyncset.done $0x0  }
0x43: {  	[sflag:s9] =	ssyncadd.s32 $0xFFFFD800  }
0x44: {  	[tilespmem:s12], [sflag:$0x2] =	stream.indirect.gather [hbm4b:s2+s10], $0x50, s16, s10, $0xb8;
	[tilespmem:$0x7000] =	vst v63  }
0x45: {  	_ =	swait.ge [sflag:s13], $0x2800  }
0x46: {  	[sflag:s13] =	ssyncset.done $0x0  }
0x47: {  	[sflag:s13] =	ssyncadd.s32 $0xFFFFD800  }
0x48: {  	[hbm4b:s6+s14] =	stream.strided.scatter [tilespmem:s11], [sflag:$0x3], $0x2800, s10, s14, $0x38;
	[tilespmem:$0x7000] =	vst v63  }
0x49: {  	_ =	swait.ge [sflag:s9], $0x2800  }
0x4a: {  	[sflag:s9] =	ssyncset.done $0x0  }
0x4b: {  	[sflag:s9] =	ssyncadd.s32 $0xFFFFD800  }
0x4c: {  	s17 =	sadd.s32 $0x1, s17;
	_ =	swait.ge [sflag:s15], $0x2800  }
0x4d: {  	p0 =	sne.s32 s17, s5;
	[sflag:s15] =	ssyncset.done $0x0  }
.Ltmp1:
0x4e: {  	[sflag:s15] =	ssyncadd.s32 $0xFFFFD800;
	(pc) =	sbr.rel @p0 .LBB2_1-.Ltmp1, $4  }
0x4f: {  	[hbm4b:s7+s14] =	stream.strided.scatter [tilespmem:s12], [sflag:$0x3], $0x2800, s10, s14, $0x38;
	[tilespmem:$0x7000] =	vst v63  }
0x50: {  	_ =	swait.ge [sflag:s9], $0x2800  }
0x51: {  	[sflag:s9] =	ssyncset.done $0x0  }
0x52: {  	[sflag:s9] =	ssyncadd.s32 $0xFFFFD800  }
0x53: {  	_ =	sfence.sel $0x180000  }
0x54: {  	[bflag:$0x0] =	sbarrier.arrive $0xFFFF  }
0x55: {  	p0 =	sne.s32 s0, $0x0;
	_ =	strace $0x9000004D  }
0x56: {  	s0 =	sadd.s32 @!p0 $0x100000, s1;
	[bflag:$0x2] =	sbarrier.arrive $0xFFFF  }
0x57: {  	[sflag:s0] =	ssyncadd.tile.s32 @!p0 $0x1;
	_ =	shalt  }
.Lfunc_end2:
_tile_overlayer_lowered:
.L_overlay_start_2:
0x58: {  	(tag) =	ssettag $0x2  }
0x59: {  	s0 =	rddreg [dreg:$0x0];
	s2 =	stileid.u32  }
0x5a: {  	s1 =	rddreg [dreg:$0x1];
	p0 =	sne.s32 s2, $0x0  }
0x5b: {  	s3 =	rddreg [dreg:$0x2];
	[bflag:$0x3] =	sbarrier.arrive $0xFFFF;
	s2 =	simm.s32 @!p0 $0x1C03  }
0x5c: {  	[timem:s3], [sflag:s2] =	dma.local @!p0 [hbm:s0], s1  }
0x5d: {  	s0 =	simm.s32 @!p0 $0x3  }
0x5e: {  	_ =	swait.ge @!p0 [sflag:s0], s1  }
0x5f: {  	s1 =	ssub.s32 @!p0 $0x0, s1;
	[sflag:s0] =	ssyncset.done @!p0 $0x0  }
0x60: {  	[sflag:s0] =	ssyncadd.s32 @!p0 s1  }
0x61: {  	[bflag:$0x3] =	sbarrier.arrive $0xFFFF  }
0x62: {  	_ =	shalt  }

// kernel: kernel.13.cloned.1.call-start
scs
__scs_entry_jumppad:
0x0: {  	(pc) =	sbr.rel $0x88, $3  }
0x1: {  	(tag) =	ssettag $0x0;
	lr =	simm.s32 $0x1  }
0x2: {  	[smem:$0x3F96] =	sst lr;
	_ =	strace $0xD0000000  }
0x3: {  	_ = 	snop  }
0x4: {  	_ = 	snop  }
0x5: {  	_ = 	snop  }
0x6: {  	_ = 	snop  }
0x7: {  	_ = 	snop  }
__scs_overlays_trampoline_lowered:
0x8: {  	[smem:$0x3FA5] =	sst s0  }
0x9: {  	[smem:$0x3FA6] =	sst s1  }
0xa: {  	[smem:$0x3FA7] =	sst s2  }
0xb: {  	[smem:$0x3FA8] =	sst s3  }
0xc: {  	[smem:$0x3FA9] =	sst s4  }
0xd: {  	[smem:$0x3FAA] =	sst s5  }
0xe: {  	[smem:$0x3FAB] =	sst s6  }
0xf: {  	[smem:$0x3FAC] =	sst s7  }
0x10: {  	[smem:$0x3FAD] =	sst s8  }
0x11: {  	[smem:$0x3FAE] =	sst s9;
	s0 =	simm.s32 @!p0 $0x0  }
0x12: {  	s1 =	sld [smem:$0x3F94];
	s0 =	simm.s32 @p0 $0x1  }
0x13: {  	[smem:$0x3FAF] =	sst s0;
	s0 =	simm.s32 @!p1 $0x0  }
0x14: {  	s2 =	sld [smem:$0x3F93];
	s0 =	simm.s32 @p1 $0x1  }
0x15: {  	[smem:$0x3FB0] =	sst s0;
	s0 =	simm.s32 @!p2 $0x0  }
0x16: {  	s3 =	sld [smem:$0x3FDB];
	s0 =	simm.s32 @p2 $0x1  }
0x17: {  	s4 =	simm.s32 $0x1BF5;
	[smem:$0x3FB2] =	sst s0  }
0x18: {  	s0 =	sld [smem:$0x3F95];
	_ =	swait.ge [sflag:s4], $0x0  }
0x19: {  	s7 =	sld [smem:$0x3F96]  }
0x1a: {  	s8 =	sadd.s32 $0xFFFFE003, lr  }
0x1b: {  	s9 =	sadd.s32 $0xFFFFFEF7, lr;
	s5 =	simm.s32 $0xFFFFFFFF;
	p2 =	slt.u32 s8, $0xFFFFF086  }
0x1c: {  	p1 =	slt.u32 s9, $0xF7A;
	s5 =	simm.s32 @!p2 $0x0  }
0x1d: {  	s5 =	simm.s32 @p1 $0x1;
	p0 =	seq.s32 s7, s2  }
0x1e: {  	s7 =	smul.u32 @!p0 $0xF7A, s2;
	p2 =	seq.s32 @!p0 s5, $0x0  }
0x1f: {  	s9 =	smul.u32 $0xF7A, s1;
	s8 =	simm.s32 @!p0 $0x1BF5;
	p2 =	por !p2, p0  }
0x20: {  	[sflag:s8] =	ssyncset.s32 @!p0 $0xFFFFF086;
	s6 =	sadd.s32 @!p0 s3, s7;
	s7 =	simm.s32 @!p0 $0x108  }
0x21: {  	s3 =	sadd.s32 s3, s9;
	s6 =	sadd.s32 @!p0 $0x88, s6;
	s7 =	simm.s32 @p2 $0x1082  }
0x22: {  	[simem:s7], [sflag:s8] =	dma.local @!p0 [hbm:s6], $0xF7A  }
0x23: {  	s9 =	sor.u32 $0xD0000000, s2;
	s6 =	simm.s32 $0x108;
	_ =	swait.ge @!p0 [sflag:s8], $0x0  }
0x24: {  	s3 =	sadd.s32 $0x88, s3;
	s6 =	simm.s32 @!p1 $0x1082;
	[sflag:s4] =	ssyncset.s32 $0xFFFFF086  }
0x25: {  	[simem:s6], [sflag:s4] =	dma.local [hbm:s3], $0xF7A  }
0x26: {  	[smem:$0x3F96] =	sst s1;
	(tag) =	ssettag s2;
	_ =	strace s9  }
0x27: {  	s1 =	sld [smem:$0x3FA6]  }
0x28: {  	s2 =	sld [smem:$0x3FA7]  }
0x29: {  	s4 =	sld [smem:$0x3FA9]  }
0x2a: {  	p0 =	seq.s32 s5, $0x0;
	s5 =	sld [smem:$0x3FAA]  }
0x2b: {  	s6 =	sld [smem:$0x3FAB]  }
0x2c: {  	s7 =	sld [smem:$0x3FAC]  }
0x2d: {  	s3 =	simm.s32 $0x108;
	s8 =	sld [smem:$0x3FAD]  }
0x2e: {  	s3 =	simm.s32 @!p0 $0x1082;
	s9 =	sld [smem:$0x3FAE]  }
0x2f: {  	lr =	sadd.s32 s0, s3;
	s0 =	sld [smem:$0x3FA5]  }
0x30: {  	s3 =	sld [smem:$0x3FA8]  }
0x31: {  	[smem:$0x3FB1] =	sst s10  }
0x32: {  	s10 =	sld [smem:$0x3FAF];
	_ =	sdelay $0x3  }
0x33: {  	p0 =	seq.s32 s10, $0x1;
	s10 =	sld [smem:$0x3FB1];
	_ =	sdelay $0x3  }
0x34: {  	[smem:$0x3FB1] =	sst s10  }
0x35: {  	s10 =	sld [smem:$0x3FB0];
	_ =	sdelay $0x3  }
0x36: {  	p1 =	seq.s32 s10, $0x1;
	s10 =	sld [smem:$0x3FB1];
	_ =	sdelay $0x3  }
0x37: {  	[smem:$0x3FB1] =	sst s10  }
0x38: {  	s10 =	sld [smem:$0x3FB2]  }
0x39: {  	_ = 	snop;
	(pc) =	sbr.ind lr, $3  }
0x3a: {  	_ = 	snop  }
0x3b: {  	_ = 	snop  }
0x3c: {  	p2 =	seq.s32 s10, $0x1;
	s10 =	sld [smem:$0x3FB1]  }
0x3d: {  	_ =	shalt  }
0x3e: {  	_ =	shalt  }
0x3f: {  	_ =	shalt  }
0x40: {  	_ =	shalt  }
0x41: {  	_ =	shalt  }
0x42: {  	_ =	shalt  }
0x43: {  	_ =	shalt  }
0x44: {  	_ =	shalt  }
0x45: {  	_ =	shalt  }
0x46: {  	_ =	shalt  }
0x47: {  	_ =	shalt  }
0x48: {  	_ =	shalt  }
0x49: {  	_ =	shalt  }
0x4a: {  	_ =	shalt  }
0x4b: {  	_ =	shalt  }
0x4c: {  	_ =	shalt  }
0x4d: {  	_ =	shalt  }
0x4e: {  	_ =	shalt  }
0x4f: {  	_ =	shalt  }
0x50: {  	_ =	shalt  }
0x51: {  	_ =	shalt  }
0x52: {  	_ =	shalt  }
0x53: {  	_ =	shalt  }
0x54: {  	_ =	shalt  }
0x55: {  	_ =	shalt  }
0x56: {  	_ =	shalt  }
0x57: {  	_ =	shalt  }
0x58: {  	_ =	shalt  }
0x59: {  	_ =	shalt  }
0x5a: {  	_ =	shalt  }
0x5b: {  	_ =	shalt  }
0x5c: {  	_ =	shalt  }
0x5d: {  	_ =	shalt  }
0x5e: {  	_ =	shalt  }
0x5f: {  	_ =	shalt  }
0x60: {  	_ =	shalt  }
0x61: {  	_ =	shalt  }
0x62: {  	_ =	shalt  }
0x63: {  	_ =	shalt  }
0x64: {  	_ =	shalt  }
0x65: {  	_ =	shalt  }
0x66: {  	_ =	shalt  }
0x67: {  	_ =	shalt  }
0x68: {  	_ =	shalt  }
0x69: {  	_ =	shalt  }
0x6a: {  	_ =	shalt  }
0x6b: {  	_ =	shalt  }
0x6c: {  	_ =	shalt  }
0x6d: {  	_ =	shalt  }
0x6e: {  	_ =	shalt  }
0x6f: {  	_ =	shalt  }
0x70: {  	_ =	shalt  }
0x71: {  	_ =	shalt  }
0x72: {  	_ =	shalt  }
0x73: {  	_ =	shalt  }
0x74: {  	_ =	shalt  }
0x75: {  	_ =	shalt  }
0x76: {  	_ =	shalt  }
0x77: {  	_ =	shalt  }
0x78: {  	_ =	shalt  }
0x79: {  	_ =	shalt  }
0x7a: {  	_ =	shalt  }
0x7b: {  	_ =	shalt  }
0x7c: {  	_ =	shalt  }
0x7d: {  	_ =	shalt  }
0x7e: {  	_ =	shalt  }
0x7f: {  	_ =	shalt  }
0x80: {  	_ =	shalt  }
0x81: {  	_ =	shalt  }
0x82: {  	_ =	shalt  }
0x83: {  	_ =	shalt  }
0x84: {  	_ =	shalt  }
0x85: {  	_ =	shalt  }
0x86: {  	_ =	shalt  }
0x87: {  	_ =	shalt  }
.Lfunc_end0:
.L_simem_size_0:
called_computation.2_lowered:
.L_overlay_start_0:
0x88: {  	s2 =	sld [smem:$0x3FD9]  }
0x89: {  	s3 =	sld [smem:$0x3FFE];
	_ =	sdelay $0x1  }
0x8a: {  	s1 =	srdreg.scid  }
0x8b: {  	s0 =	sand.u32 $0x1, s1  }
0x8c: {  	s14 =	sshll.u32 s0, $0xA;
	s2 =	sadd.s32 s3, s2  }
0x8d: {  	s2 =	sadd.s32 s2, s14  }
0x8e: {  	[smem:$0x3FBD] =	sst s2  }
0x8f: {  	_ = 	snop  }
0x90: {  	s2 =	sld [smem:$0x3FD0];
	_ =	sdelay $0x2  }
0x91: {  	s15 =	simm.s32 $0xB;
	s4 =	simm.s32 $0x10  }
0x92: {  	[smem:s4], [sflag:s15] =	dma.local [hbm:s2], $0x1  }
0x93: {  	_ =	swait.eq [sflag:s15], $0x1  }
0x94: {  	[sflag:s15] =	ssyncset.done $0x0  }
0x95: {  	[sflag:s15] =	ssyncadd.s32 $0xFFFFFFFF  }
0x96: {  	s16 =	sld [smem:$0x11];
	(tm) =	ssettm $0x1  }
0x97: {  	s17 =	sld [smem:$0x3FFB];
	_ =	sdelay $0x3  }
0x98: {  	_ =	strace s17  }
0x99: {  	s3 =	sld [smem:$0x3FFC];
	_ =	sdelay $0x3  }
0x9a: {  	_ =	strace s3  }
0x9b: {  	s3 =	sld [smem:$0x3FFD];
	_ =	sdelay $0x3  }
0x9c: {  	_ =	strace s3  }
0x9d: {  	_ =	strace $0x8FFFFFFF  }
0x9e: {  	s18 =	sld [smem:$0x3FDB];
	_ =	sdelay $0x1  }
0x9f: {  	s19 =	simm.s32 $_scs_section_size  }
0xa0: {  	s5 =	simm.s32 $_size__tile_overlayer_lowered;
	s6 =	simm.s32 $_tile_overlayer_lowered  }
0xa1: {  	s22 =	simm.s32 $0x1BFF;
	s21 =	sshll.u32 s6, $0x1;
	s3 =	sadd.s32 s19, s18  }
0xa2: {  	s7 =	simm.s32 $0x0;
	s20 =	sshll.u32 s5, $0x1;
	s5 =	sadd.s32 s21, s3  }
0xa3: {  	[timem:s7], [sflag:s22] =	dma.local [hbm:s5], s20  }
0xa4: {  	_ =	swait.ge [sflag:s22], s20  }
0xa5: {  	s4 =	ssub.s32 $0x0, s20;
	[sflag:s22] =	ssyncset.done $0x0  }
0xa6: {  	[sflag:s22] =	ssyncadd.s32 s4;
	_ =	sdelay $0x1  }
0xa7: {  	s23 =	simm.s32 $0x1B8B  }
0xa8: {  	_ =	swait.ge [sflag:s23], $0x1  }
0xa9: {  	[sflag:s23] =	ssyncset.done $0x0  }
0xaa: {  	s25 =	simm.s32 $0x1B8E;
	s24 =	sld [smem:$0x3FFE];
	[sflag:s23] =	ssyncadd.s32 $0xFFFFFFFF  }
0xab: {  	s26 =	simm.s32 $execute0_lowered;
	[smem:$0x3FD2] =	sst s25  }
0xac: {  	s5 =	sshll.u32 s26, $0x1;
	_ =	strace $0x80000049;
	[dreg:$0x1] =	wrdreg $0xFFFFFFFF  }
0xad: {  	s28 =	simm.s32 $_size_execute0_lowered;
	s3 =	sadd.s32 s3, s5;
	[dreg:$0x0] =	wrdreg $0x0  }
0xae: {  	s5 =	sshll.u32 s28, $0x1;
	[dreg:$0x2] =	wrdreg s3  }
0xaf: {  	[dreg:$0x3] =	wrdreg s5  }
0xb0: {  	[dreg:$0x4] =	wrdreg $0xC0  }
0xb1: {  	_ =	task [dreg:s7], $0x5FFFF  }
0xb2: {  	[dreg:$0x1] =	wrdreg $0xFFFFFFFF  }
0xb3: {  	[dreg:$0x0] =	wrdreg $0x60  }
0xb4: {  	[dreg:$0x2] =	wrdreg s16  }
0xb5: {  	[dreg:$0x3] =	wrdreg s24  }
0xb6: {  	[dreg:$0x4] =	wrdreg $0xA  }
0xb7: {  	_ =	task.clear_ibuf [dreg:s7], $0x5FFFF;
	_ =	strace $0x90000049  }
0xb8: {  	s29 =	simm.s32 $0xA;
	_ =	strace $0x8000004B  }
0xb9: {  	_ =	swait.ge [sflag:s29], $0x1  }
0xba: {  	[sflag:s29] =	ssyncadd.s32 $0xFFFFFFFF  }
0xbb: {  	_ =	strace $0x9000004B  }
0xbc: {  	_ =	sfence  }
0xbd: {  	s30 =	sld [smem:$0x0];
	_ =	sdelay $0x2  }
0xbe: {  	s31 =	sshll.u32 s1, $0xD;
	s1 =	sshrl.u32 s1, $0x2  }
0xbf: {  	s3 =	sand.u32 $0x4000, s31;
	s1 =	sadd.s32 s1, s30  }
0xc0: {  	s0 =	sor.u32 s3, s0;
	s1 =	sshll.u32 s1, $0x11  }
0xc1: {  	s0 =	sor.u32 s1, s0  }
0xc2: {  	s0 =	sadd.s32 $0x8F2B, s0  }
0xc3: {  	[sflag:s0] =	ssyncadd.remote.s32 $0x1  }
0xc4: {  	_ =	sfence.sel $0xFFFF  }
0xc5: {  	[dreg:$0x0] =	wrdreg $0xFFFFFFFF;
	(pc) =	sbr.abs _section_cstart, $3  }
0xc6: {  	[dreg:$0x1] =	wrdreg $0xFFFFFFFF  }
0xc7: {  	_ =	task.clear_ibuf [dreg:s7], $0x2FFFF;
	_ =	strace $0x9FFFFFFF  }
0xc8: {  	(tm) =	ssettm $0x7FFFFFFF  }
0xc9: {  	_ =	shalt  }
tec
execute0_lowered:
.L_overlay_start_1:
0x0: {  	(tag) =	ssettag $0x1  }
0x1: {  	s1 =	srdreg.scid;
	s2 =	rddreg [dreg:$0x0]  }
0x2: {  	s0 =	stileid.u32;
	s4 =	rddreg [dreg:$0x1]  }
0x3: {  	s3 =	simm.s32 $0x0;
	s11 =	simm.s32 $0x1000;
	s12 =	simm.s32 $0x3800  }
0x4: {  	s13 =	simm.s32 $0x1;
	s14 =	simm.s32 $0x50;
	s15 =	simm.s32 $0x2  }
0x5: {  	s16 =	simm.s32 $0xF80;
	s6 =	sand.u32 $0x1, s1;
	s1 =	rddreg [dreg:$0x2]  }
0x6: {  	s17 =	simm.s32 $0x0;
	s5 =	sshll.u32 s0, $0x6;
	[smem:$0x7FF] =	sst s3  }
0x7: {  	s10 =	sadd.s32 $0x4A000, s4;
	s30 =	sshll.u32 s0, $0x11;
	s7 =	sshll.u32 s6, $0x5  }
0x8: {  	s8 =	ssub.s32 $0x2, s6;
	_ =	strace $0x8000004A;
	s5 =	sor.u32 s7, s5  }
0x9: {  	s31 =	sshll.u32 s6, $0x10;
	s9 =	sshrl.u32 s8, $0x1;
	s7 =	sshll.u32 s5, $0x4  }
0xa: {  	s8 =	ssub.s32 s8, s9;
	s29 =	sshll.u32 s5, $0xB;
	s9 =	simm.s32 $0x3  }
0xb: {  	s7 =	sadd.s32 s7, s4;
	s5 =	smax.u32 s8, $0x1;
	s8 =	sadd.s32 s30, s10  }
0xc: {  	s4 =	sadd.s32 $0x46000, s7;
	s7 =	sadd.s32 s29, s10;
	s8 =	sadd.s32 s31, s8  }
0xd: {  	s10 =	simm.s32 $0x80;
	s6 =	sadd.s32 $0xF000, s7;
	s7 =	sadd.s32 $0xF800, s7  }
.LBB2_1:
0xe: {  	[tilespmem:s3], [sflag:$0x3] =	stream.linear.gather [hbm4b:s4+s3], $0x1000, $0x38;
	[tilespmem:$0x6000] =	vst v63  }
0xf: {  	_ =	swait.ge [sflag:s9], $0x1000  }
0x10: {  	[sflag:s9] =	ssyncset.done $0x0  }
0x11: {  	[sflag:s9] =	ssyncadd.s32 $0xFFFFF000  }
0x12: {  	[tilespmem:s11], [sflag:$0x1] =	stream.indirect.gather [hbm4b:s2+s10], $0x50, s3, s10, $0xb8;
	[tilespmem:$0x6000] =	vst v63  }
0x13: {  	s18 =	simm.s32 $0x80  }
0x14: {  	[tilespmem:s12], [sflag:$0x2] =	stream.indirect.gather [hbm4b:s2+s10], $0x50, s18, s10, $0xb8;
	[tilespmem:$0x6000] =	vst v63  }
0x15: {  	_ =	swait.ge [sflag:s13], $0x2800  }
0x16: {  	[sflag:s13] =	ssyncset.done $0x0  }
0x17: {  	s31 =	sadd.s32 $0x0, s8;
	[sflag:s13] =	ssyncadd.s32 $0xFFFFD800  }
0x18: {  	[hbm4b:s31+s14] =	stream.strided.scatter [tilespmem:s11], [sflag:$0x3], $0x2800, s10, s14, $0x38;
	[tilespmem:$0x6000] =	vst v63  }
0x19: {  	_ =	swait.ge [sflag:s9], $0x2800  }
0x1a: {  	[sflag:s9] =	ssyncset.done $0x0  }
0x1b: {  	s19 =	simm.s32 $0x100;
	[sflag:s9] =	ssyncadd.s32 $0xFFFFD800  }
0x1c: {  	[tilespmem:s11], [sflag:$0x1] =	stream.indirect.gather [hbm4b:s2+s10], $0x50, s19, s10, $0xb8;
	[tilespmem:$0x6000] =	vst v63  }
0x1d: {  	_ =	swait.ge [sflag:s15], $0x2800  }
0x1e: {  	[sflag:s15] =	ssyncset.done $0x0  }
0x1f: {  	s18 =	sadd.s32 $0x800, s31;
	[sflag:s15] =	ssyncadd.s32 $0xFFFFD800  }
0x20: {  	[hbm4b:s18+s14] =	stream.strided.scatter [tilespmem:s12], [sflag:$0x3], $0x2800, s10, s14, $0x38;
	[tilespmem:$0x6000] =	vst v63  }
0x21: {  	s20 =	simm.s32 $0x2000;
	_ =	swait.ge [sflag:s9], $0x2800  }
0x22: {  	s19 =	simm.s32 $0x1000;
	s18 =	simm.s32 $0x200;
	[sflag:s9] =	ssyncset.done $0x0  }
.LBB2_2:
0x23: {  	p0 =	sne.s32 s20, $0xE000;
	s21 =	sadd.s32 $0xFFFFFF80, s18;
	[sflag:s9] =	ssyncadd.s32 $0xFFFFD800  }
0x24: {  	[tilespmem:s12], [sflag:$0x2] =	stream.indirect.gather [hbm4b:s2+s10], $0x50, s21, s10, $0xb8;
	[tilespmem:$0x6000] =	vst v63  }
0x25: {  	s21 =	smov.u32 s20;
	s20 =	sadd.s32 $0x1000, s20;
	_ =	swait.ge [sflag:s13], $0x2800  }
0x26: {  	[sflag:s13] =	ssyncset.done $0x0  }
0x27: {  	s22 =	sadd.s32 s19, s8;
	s19 =	smov.u32 s21;
	[sflag:s13] =	ssyncadd.s32 $0xFFFFD800  }
0x28: {  	[hbm4b:s22+s14] =	stream.strided.scatter [tilespmem:s11], [sflag:$0x3], $0x2800, s10, s14, $0x38;
	[tilespmem:$0x6000] =	vst v63  }
0x29: {  	_ =	swait.ge [sflag:s9], $0x2800  }
0x2a: {  	[sflag:s9] =	ssyncset.done $0x0  }
0x2b: {  	[sflag:s9] =	ssyncadd.s32 $0xFFFFD800  }
0x2c: {  	[tilespmem:s11], [sflag:$0x1] =	stream.indirect.gather [hbm4b:s2+s10], $0x50, s18, s10, $0xb8;
	[tilespmem:$0x6000] =	vst v63  }
0x2d: {  	_ =	swait.ge [sflag:s15], $0x2800  }
.Ltmp0:
0x2e: {  	[sflag:s15] =	ssyncset.done $0x0;
	(pc) =	sbr.rel @p0 .LBB2_2-.Ltmp0, $4  }
0x2f: {  	s21 =	sadd.s32 $0x800, s22;
	[sflag:s15] =	ssyncadd.s32 $0xFFFFD800  }
0x30: {  	[hbm4b:s21+s14] =	stream.strided.scatter [tilespmem:s12], [sflag:$0x3], $0x2800, s10, s14, $0x38;
	[tilespmem:$0x6000] =	vst v63  }
0x31: {  	_ =	swait.ge [sflag:s9], $0x2800  }
0x32: {  	s18 =	sadd.s32 $0x100, s18;
	[sflag:s9] =	ssyncset.done $0x0  }
0x33: {  	s20 =	sadd.s32 $0xFFFFFF80, s18;
	[sflag:s9] =	ssyncadd.s32 $0xFFFFD800  }
0x34: {  	[tilespmem:s12], [sflag:$0x2] =	stream.indirect.gather [hbm4b:s2+s10], $0x50, s20, s10, $0xb8;
	[tilespmem:$0x6000] =	vst v63  }
0x35: {  	_ =	swait.ge [sflag:s13], $0x2800  }
0x36: {  	[sflag:s13] =	ssyncset.done $0x0  }
0x37: {  	s19 =	sadd.s32 s19, s8;
	[sflag:s13] =	ssyncadd.s32 $0xFFFFD800  }
0x38: {  	[hbm4b:s19+s14] =	stream.strided.scatter [tilespmem:s11], [sflag:$0x3], $0x2800, s10, s14, $0x38;
	[tilespmem:$0x6000] =	vst v63  }
0x39: {  	_ =	swait.ge [sflag:s9], $0x2800  }
0x3a: {  	[sflag:s9] =	ssyncset.done $0x0  }
0x3b: {  	[sflag:s9] =	ssyncadd.s32 $0xFFFFD800  }
0x3c: {  	[tilespmem:s11], [sflag:$0x1] =	stream.indirect.gather [hbm4b:s2+s10], $0x50, s18, s10, $0xb8;
	[tilespmem:$0x6000] =	vst v63  }
0x3d: {  	_ =	swait.ge [sflag:s15], $0x2800  }
0x3e: {  	[sflag:s15] =	ssyncset.done $0x0  }
0x3f: {  	s31 =	sadd.s32 $0x800, s19;
	[sflag:s15] =	ssyncadd.s32 $0xFFFFD800  }
0x40: {  	[hbm4b:s31+s14] =	stream.strided.scatter [tilespmem:s12], [sflag:$0x3], $0x2800, s10, s14, $0x38;
	[tilespmem:$0x6000] =	vst v63  }
0x41: {  	_ =	swait.ge [sflag:s9], $0x2800  }
0x42: {  	[sflag:s9] =	ssyncset.done $0x0  }
0x43: {  	[sflag:s9] =	ssyncadd.s32 $0xFFFFD800  }
0x44: {  	[tilespmem:s12], [sflag:$0x2] =	stream.indirect.gather [hbm4b:s2+s10], $0x50, s16, s10, $0xb8;
	[tilespmem:$0x6000] =	vst v63  }
0x45: {  	_ =	swait.ge [sflag:s13], $0x2800  }
0x46: {  	[sflag:s13] =	ssyncset.done $0x0  }
0x47: {  	[sflag:s13] =	ssyncadd.s32 $0xFFFFD800  }
0x48: {  	[hbm4b:s6+s14] =	stream.strided.scatter [tilespmem:s11], [sflag:$0x3], $0x2800, s10, s14, $0x38;
	[tilespmem:$0x6000] =	vst v63  }
0x49: {  	_ =	swait.ge [sflag:s9], $0x2800  }
0x4a: {  	[sflag:s9] =	ssyncset.done $0x0  }
0x4b: {  	[sflag:s9] =	ssyncadd.s32 $0xFFFFD800  }
0x4c: {  	s17 =	sadd.s32 $0x1, s17;
	_ =	swait.ge [sflag:s15], $0x2800  }
0x4d: {  	p0 =	sne.s32 s17, s5;
	[sflag:s15] =	ssyncset.done $0x0  }
.Ltmp1:
0x4e: {  	[sflag:s15] =	ssyncadd.s32 $0xFFFFD800;
	(pc) =	sbr.rel @p0 .LBB2_1-.Ltmp1, $4  }
0x4f: {  	[hbm4b:s7+s14] =	stream.strided.scatter [tilespmem:s12], [sflag:$0x3], $0x2800, s10, s14, $0x38;
	[tilespmem:$0x6000] =	vst v63  }
0x50: {  	_ =	swait.ge [sflag:s9], $0x2800  }
0x51: {  	[sflag:s9] =	ssyncset.done $0x0  }
0x52: {  	[sflag:s9] =	ssyncadd.s32 $0xFFFFD800  }
0x53: {  	_ =	sfence.sel $0x180000  }
0x54: {  	[bflag:$0x0] =	sbarrier.arrive $0xFFFF  }
0x55: {  	p0 =	sne.s32 s0, $0x0;
	_ =	strace $0x9000004A  }
0x56: {  	s0 =	sadd.s32 @!p0 $0x100000, s1;
	[bflag:$0x2] =	sbarrier.arrive $0xFFFF  }
0x57: {  	[sflag:s0] =	ssyncadd.tile.s32 @!p0 $0x1;
	_ =	shalt  }
.Lfunc_end2:
_tile_overlayer_lowered:
.L_overlay_start_2:
0x58: {  	(tag) =	ssettag $0x2  }
0x59: {  	s0 =	rddreg [dreg:$0x0];
	s2 =	stileid.u32  }
0x5a: {  	s1 =	rddreg [dreg:$0x1];
	p0 =	sne.s32 s2, $0x0  }
0x5b: {  	s3 =	rddreg [dreg:$0x2];
	[bflag:$0x3] =	sbarrier.arrive $0xFFFF;
	s2 =	simm.s32 @!p0 $0x1C03  }
0x5c: {  	[timem:s3], [sflag:s2] =	dma.local @!p0 [hbm:s0], s1  }
0x5d: {  	s0 =	simm.s32 @!p0 $0x3  }
0x5e: {  	_ =	swait.ge @!p0 [sflag:s0], s1  }
0x5f: {  	s1 =	ssub.s32 @!p0 $0x0, s1;
	[sflag:s0] =	ssyncset.done @!p0 $0x0  }
0x60: {  	[sflag:s0] =	ssyncadd.s32 @!p0 s1  }
0x61: {  	[bflag:$0x3] =	sbarrier.arrive $0xFFFF  }
0x62: {  	_ =	shalt  }

// kernel: kernel.7.cloned.1.call-start
scs
__scs_entry_jumppad:
0x0: {  	(pc) =	sbr.rel $0x88, $3  }
0x1: {  	(tag) =	ssettag $0x0;
	lr =	simm.s32 $0x1  }
0x2: {  	[smem:$0x3F96] =	sst lr;
	_ =	strace $0xD0000000  }
0x3: {  	_ = 	snop  }
0x4: {  	_ = 	snop  }
0x5: {  	_ = 	snop  }
0x6: {  	_ = 	snop  }
0x7: {  	_ = 	snop  }
__scs_overlays_trampoline_lowered:
0x8: {  	[smem:$0x3FA5] =	sst s0  }
0x9: {  	[smem:$0x3FA6] =	sst s1  }
0xa: {  	[smem:$0x3FA7] =	sst s2  }
0xb: {  	[smem:$0x3FA8] =	sst s3  }
0xc: {  	[smem:$0x3FA9] =	sst s4  }
0xd: {  	[smem:$0x3FAA] =	sst s5  }
0xe: {  	[smem:$0x3FAB] =	sst s6  }
0xf: {  	[smem:$0x3FAC] =	sst s7  }
0x10: {  	[smem:$0x3FAD] =	sst s8  }
0x11: {  	[smem:$0x3FAE] =	sst s9;
	s0 =	simm.s32 @!p0 $0x0  }
0x12: {  	s1 =	sld [smem:$0x3F94];
	s0 =	simm.s32 @p0 $0x1  }
0x13: {  	[smem:$0x3FAF] =	sst s0;
	s0 =	simm.s32 @!p1 $0x0  }
0x14: {  	s2 =	sld [smem:$0x3F93];
	s0 =	simm.s32 @p1 $0x1  }
0x15: {  	[smem:$0x3FB0] =	sst s0;
	s0 =	simm.s32 @!p2 $0x0  }
0x16: {  	s3 =	sld [smem:$0x3FDB];
	s0 =	simm.s32 @p2 $0x1  }
0x17: {  	s4 =	simm.s32 $0x1BF5;
	[smem:$0x3FB2] =	sst s0  }
0x18: {  	s0 =	sld [smem:$0x3F95];
	_ =	swait.ge [sflag:s4], $0x0  }
0x19: {  	s7 =	sld [smem:$0x3F96]  }
0x1a: {  	s8 =	sadd.s32 $0xFFFFE003, lr  }
0x1b: {  	s9 =	sadd.s32 $0xFFFFFEF7, lr;
	s5 =	simm.s32 $0xFFFFFFFF;
	p2 =	slt.u32 s8, $0xFFFFF086  }
0x1c: {  	p1 =	slt.u32 s9, $0xF7A;
	s5 =	simm.s32 @!p2 $0x0  }
0x1d: {  	s5 =	simm.s32 @p1 $0x1;
	p0 =	seq.s32 s7, s2  }
0x1e: {  	s7 =	smul.u32 @!p0 $0xF7A, s2;
	p2 =	seq.s32 @!p0 s5, $0x0  }
0x1f: {  	s9 =	smul.u32 $0xF7A, s1;
	s8 =	simm.s32 @!p0 $0x1BF5;
	p2 =	por !p2, p0  }
0x20: {  	[sflag:s8] =	ssyncset.s32 @!p0 $0xFFFFF086;
	s6 =	sadd.s32 @!p0 s3, s7;
	s7 =	simm.s32 @!p0 $0x108  }
0x21: {  	s3 =	sadd.s32 s3, s9;
	s6 =	sadd.s32 @!p0 $0x88, s6;
	s7 =	simm.s32 @p2 $0x1082  }
0x22: {  	[simem:s7], [sflag:s8] =	dma.local @!p0 [hbm:s6], $0xF7A  }
0x23: {  	s9 =	sor.u32 $0xD0000000, s2;
	s6 =	simm.s32 $0x108;
	_ =	swait.ge @!p0 [sflag:s8], $0x0  }
0x24: {  	s3 =	sadd.s32 $0x88, s3;
	s6 =	simm.s32 @!p1 $0x1082;
	[sflag:s4] =	ssyncset.s32 $0xFFFFF086  }
0x25: {  	[simem:s6], [sflag:s4] =	dma.local [hbm:s3], $0xF7A  }
0x26: {  	[smem:$0x3F96] =	sst s1;
	(tag) =	ssettag s2;
	_ =	strace s9  }
0x27: {  	s1 =	sld [smem:$0x3FA6]  }
0x28: {  	s2 =	sld [smem:$0x3FA7]  }
0x29: {  	s4 =	sld [smem:$0x3FA9]  }
0x2a: {  	p0 =	seq.s32 s5, $0x0;
	s5 =	sld [smem:$0x3FAA]  }
0x2b: {  	s6 =	sld [smem:$0x3FAB]  }
0x2c: {  	s7 =	sld [smem:$0x3FAC]  }
0x2d: {  	s3 =	simm.s32 $0x108;
	s8 =	sld [smem:$0x3FAD]  }
0x2e: {  	s3 =	simm.s32 @!p0 $0x1082;
	s9 =	sld [smem:$0x3FAE]  }
0x2f: {  	lr =	sadd.s32 s0, s3;
	s0 =	sld [smem:$0x3FA5]  }
0x30: {  	s3 =	sld [smem:$0x3FA8]  }
0x31: {  	[smem:$0x3FB1] =	sst s10  }
0x32: {  	s10 =	sld [smem:$0x3FAF];
	_ =	sdelay $0x3  }
0x33: {  	p0 =	seq.s32 s10, $0x1;
	s10 =	sld [smem:$0x3FB1];
	_ =	sdelay $0x3  }
0x34: {  	[smem:$0x3FB1] =	sst s10  }
0x35: {  	s10 =	sld [smem:$0x3FB0];
	_ =	sdelay $0x3  }
0x36: {  	p1 =	seq.s32 s10, $0x1;
	s10 =	sld [smem:$0x3FB1];
	_ =	sdelay $0x3  }
0x37: {  	[smem:$0x3FB1] =	sst s10  }
0x38: {  	s10 =	sld [smem:$0x3FB2]  }
0x39: {  	_ = 	snop;
	(pc) =	sbr.ind lr, $3  }
0x3a: {  	_ = 	snop  }
0x3b: {  	_ = 	snop  }
0x3c: {  	p2 =	seq.s32 s10, $0x1;
	s10 =	sld [smem:$0x3FB1]  }
0x3d: {  	_ =	shalt  }
0x3e: {  	_ =	shalt  }
0x3f: {  	_ =	shalt  }
0x40: {  	_ =	shalt  }
0x41: {  	_ =	shalt  }
0x42: {  	_ =	shalt  }
0x43: {  	_ =	shalt  }
0x44: {  	_ =	shalt  }
0x45: {  	_ =	shalt  }
0x46: {  	_ =	shalt  }
0x47: {  	_ =	shalt  }
0x48: {  	_ =	shalt  }
0x49: {  	_ =	shalt  }
0x4a: {  	_ =	shalt  }
0x4b: {  	_ =	shalt  }
0x4c: {  	_ =	shalt  }
0x4d: {  	_ =	shalt  }
0x4e: {  	_ =	shalt  }
0x4f: {  	_ =	shalt  }
0x50: {  	_ =	shalt  }
0x51: {  	_ =	shalt  }
0x52: {  	_ =	shalt  }
0x53: {  	_ =	shalt  }
0x54: {  	_ =	shalt  }
0x55: {  	_ =	shalt  }
0x56: {  	_ =	shalt  }
0x57: {  	_ =	shalt  }
0x58: {  	_ =	shalt  }
0x59: {  	_ =	shalt  }
0x5a: {  	_ =	shalt  }
0x5b: {  	_ =	shalt  }
0x5c: {  	_ =	shalt  }
0x5d: {  	_ =	shalt  }
0x5e: {  	_ =	shalt  }
0x5f: {  	_ =	shalt  }
0x60: {  	_ =	shalt  }
0x61: {  	_ =	shalt  }
0x62: {  	_ =	shalt  }
0x63: {  	_ =	shalt  }
0x64: {  	_ =	shalt  }
0x65: {  	_ =	shalt  }
0x66: {  	_ =	shalt  }
0x67: {  	_ =	shalt  }
0x68: {  	_ =	shalt  }
0x69: {  	_ =	shalt  }
0x6a: {  	_ =	shalt  }
0x6b: {  	_ =	shalt  }
0x6c: {  	_ =	shalt  }
0x6d: {  	_ =	shalt  }
0x6e: {  	_ =	shalt  }
0x6f: {  	_ =	shalt  }
0x70: {  	_ =	shalt  }
0x71: {  	_ =	shalt  }
0x72: {  	_ =	shalt  }
0x73: {  	_ =	shalt  }
0x74: {  	_ =	shalt  }
0x75: {  	_ =	shalt  }
0x76: {  	_ =	shalt  }
0x77: {  	_ =	shalt  }
0x78: {  	_ =	shalt  }
0x79: {  	_ =	shalt  }
0x7a: {  	_ =	shalt  }
0x7b: {  	_ =	shalt  }
0x7c: {  	_ =	shalt  }
0x7d: {  	_ =	shalt  }
0x7e: {  	_ =	shalt  }
0x7f: {  	_ =	shalt  }
0x80: {  	_ =	shalt  }
0x81: {  	_ =	shalt  }
0x82: {  	_ =	shalt  }
0x83: {  	_ =	shalt  }
0x84: {  	_ =	shalt  }
0x85: {  	_ =	shalt  }
0x86: {  	_ =	shalt  }
0x87: {  	_ =	shalt  }
.Lfunc_end0:
.L_simem_size_0:
called_computation_lowered:
.L_overlay_start_0:
0x88: {  	s2 =	sld [smem:$0x3FD9]  }
0x89: {  	s3 =	sld [smem:$0x3FFE];
	_ =	sdelay $0x1  }
0x8a: {  	s1 =	srdreg.scid  }
0x8b: {  	s0 =	sand.u32 $0x1, s1  }
0x8c: {  	s14 =	sshll.u32 s0, $0xA;
	s2 =	sadd.s32 s3, s2  }
0x8d: {  	s2 =	sadd.s32 s2, s14  }
0x8e: {  	[smem:$0x3FBD] =	sst s2  }
0x8f: {  	_ = 	snop  }
0x90: {  	s2 =	sld [smem:$0x3FD0];
	_ =	sdelay $0x2  }
0x91: {  	s4 =	simm.s32 $0xB;
	s5 =	simm.s32 $0x10;
	s15 =	sld [smem:$0x3FC7]  }
0x92: {  	[smem:s5], [sflag:s4] =	dma.local [hbm:s2], $0x1  }
0x93: {  	_ =	swait.eq [sflag:s4], $0x1  }
0x94: {  	[sflag:s4] =	ssyncset.done $0x0  }
0x95: {  	s16 =	sld [smem:$0x10];
	[sflag:s4] =	ssyncadd.s32 $0xFFFFFFFF  }
0x96: {  	s17 =	sld [smem:$0x12];
	(tm) =	ssettm $0x1  }
0x97: {  	s18 =	sld [smem:$0x3FFB];
	_ =	sdelay $0x3  }
0x98: {  	_ =	strace s18  }
0x99: {  	s5 =	sld [smem:$0x3FFC];
	_ =	sdelay $0x3  }
0x9a: {  	_ =	strace s5  }
0x9b: {  	s5 =	sld [smem:$0x3FFD];
	_ =	sdelay $0x3  }
0x9c: {  	_ =	strace s5  }
0x9d: {  	_ =	strace $0x8FFFFFFF  }
0x9e: {  	s19 =	sld [smem:$0x3FDB];
	_ =	sdelay $0x1  }
0x9f: {  	s6 =	simm.s32 $_scs_section_size  }
0xa0: {  	s7 =	simm.s32 $_size__tile_overlayer_lowered;
	s8 =	simm.s32 $_tile_overlayer_lowered  }
0xa1: {  	s22 =	simm.s32 $0x1BFF;
	s21 =	sshll.u32 s8, $0x1;
	s5 =	sadd.s32 s6, s19  }
0xa2: {  	s9 =	simm.s32 $0x0;
	s20 =	sshll.u32 s7, $0x1;
	s7 =	sadd.s32 s21, s5  }
0xa3: {  	[timem:s9], [sflag:s22] =	dma.local [hbm:s7], s20  }
0xa4: {  	_ =	swait.ge [sflag:s22], s20  }
0xa5: {  	s6 =	ssub.s32 $0x0, s20;
	[sflag:s22] =	ssyncset.done $0x0  }
0xa6: {  	[sflag:s22] =	ssyncadd.s32 s6;
	_ =	sdelay $0x1  }
0xa7: {  	s23 =	simm.s32 $0x1B8B  }
0xa8: {  	_ =	swait.ge [sflag:s23], $0x1  }
0xa9: {  	[sflag:s23] =	ssyncset.done $0x0  }
0xaa: {  	s25 =	simm.s32 $0x1B8E;
	s24 =	sld [smem:$0x3FFE];
	[sflag:s23] =	ssyncadd.s32 $0xFFFFFFFF  }
0xab: {  	s26 =	simm.s32 $execute0_lowered;
	[smem:$0x3FD2] =	sst s25  }
0xac: {  	s7 =	sshll.u32 s26, $0x1;
	_ =	strace $0x80000046;
	[dreg:$0x1] =	wrdreg $0xFFFFFFFF  }
0xad: {  	s28 =	simm.s32 $_size_execute0_lowered;
	s5 =	sadd.s32 s5, s7;
	[dreg:$0x0] =	wrdreg $0x0  }
0xae: {  	s7 =	sshll.u32 s28, $0x1;
	[dreg:$0x2] =	wrdreg s5  }
0xaf: {  	[dreg:$0x3] =	wrdreg s7  }
0xb0: {  	[dreg:$0x4] =	wrdreg $0xC0  }
0xb1: {  	_ =	task [dreg:s9], $0x5FFFF  }
0xb2: {  	[dreg:$0x1] =	wrdreg $0xFFFFFFFF  }
0xb3: {  	[dreg:$0x0] =	wrdreg $0x60  }
0xb4: {  	[dreg:$0x2] =	wrdreg s24  }
0xb5: {  	[dreg:$0x3] =	wrdreg s15  }
0xb6: {  	[dreg:$0x4] =	wrdreg s17  }
0xb7: {  	[dreg:$0x5] =	wrdreg s16  }
0xb8: {  	[dreg:$0x6] =	wrdreg $0x9  }
0xb9: {  	_ =	task.clear_ibuf [dreg:s9], $0x7FFFF;
	_ =	strace $0x90000046  }
0xba: {  	s29 =	simm.s32 $0x9;
	_ =	strace $0x80000048  }
0xbb: {  	_ =	swait.ge [sflag:s29], $0x1  }
0xbc: {  	[sflag:s29] =	ssyncadd.s32 $0xFFFFFFFF  }
0xbd: {  	_ =	strace $0x90000048  }
0xbe: {  	_ =	sfence  }
0xbf: {  	s30 =	sld [smem:$0x0];
	_ =	sdelay $0x2  }
0xc0: {  	s31 =	sshll.u32 s1, $0xD;
	s1 =	sshrl.u32 s1, $0x2  }
0xc1: {  	s3 =	sand.u32 $0x4000, s31;
	s1 =	sadd.s32 s1, s30  }
0xc2: {  	s0 =	sor.u32 s3, s0;
	s1 =	sshll.u32 s1, $0x11  }
0xc3: {  	s0 =	sor.u32 s1, s0  }
0xc4: {  	s0 =	sadd.s32 $0x8F2B, s0  }
0xc5: {  	[sflag:s0] =	ssyncadd.remote.s32 $0x1  }
0xc6: {  	_ =	sfence.sel $0xFFFF  }
0xc7: {  	[dreg:$0x0] =	wrdreg $0xFFFFFFFF;
	(pc) =	sbr.abs _section_cstart, $3  }
0xc8: {  	[dreg:$0x1] =	wrdreg $0xFFFFFFFF  }
0xc9: {  	_ =	task.clear_ibuf [dreg:s9], $0x2FFFF;
	_ =	strace $0x9FFFFFFF  }
0xca: {  	(tm) =	ssettm $0x7FFFFFFF  }
0xcb: {  	_ =	shalt  }
tec
execute0_lowered:
.L_overlay_start_1:
0x0: {  	(tag) =	ssettag $0x1  }
0x1: {  	s0 =	rddreg [dreg:$0x0]  }
0x2: {  	s1 =	rddreg [dreg:$0x1]  }
0x3: {  	s10 =	rddreg [dreg:$0x2]  }
0x4: {  	s11 =	rddreg [dreg:$0x3];
	s2 =	simm.s32 $0x0  }
0x5: {  	s4 =	stileid.u32;
	s3 =	srdreg.scid;
	s14 =	simm.s32 $0x80  }
0x6: {  	s15 =	simm.s32 $0x200;
	s16 =	simm.s32 $0x1;
	s17 =	simm.s32 $0x2000  }
0x7: {  	s18 =	simm.s32 $0x4000;
	s24 =	simm.s32 $0x6400;
	s25 =	simm.s32 $0x0  }
0x8: {  	[smem:$0x7FF] =	sst s2;
	s7 =	sshrl.u32 s4, $0x2;
	s4 =	sshll.u32 s4, $0x1  }
0x9: {  	s3 =	sand.u32 $0x1, s3;
	s5 =	sshll.u32 s7, $0x4;
	s4 =	sand.u32 $0x6, s4  }
0xa: {  	_ =	strace $0x80000047;
	s9 =	sshll.u32 s7, $0xF;
	s7 =	sshll.u32 s7, $0xD  }
0xb: {  	s6 =	sadd.s32 s5, s0;
	s4 =	sor.u32 s3, s4;
	s3 =	ssub.s32 $0x2, s3  }
0xc: {  	s8 =	sshll.u32 s4, $0xC;
	s4 =	sshll.u32 s4, $0x7;
	s31 =	sshrl.u32 s3, $0x1  }
0xd: {  	s8 =	sor.u32 s9, s8;
	s12 =	sor.u32 s5, s4;
	s13 =	ssub.s32 s3, s31  }
0xe: {  	s3 =	sadd.s32 $0x4C00, s6;
	s4 =	sadd.s32 $0x3C00, s6;
	s5 =	sadd.s32 $0x2C00, s6  }
0xf: {  	s9 =	sadd.s32 s8, s0;
	s0 =	sadd.s32 s12, s0;
	s6 =	sadd.s32 s1, s12  }
0x10: {  	v0 =	vlaneseq.u32;
	s10 =	sadd.s32 s10, s12;
	s11 =	sadd.s32 s11, s12;
	s13 =	smax.u32 s13, $0x1  }
0x11: {  	v2 =	vor.u32 $0x10, v0;
	v1 =	vmov s7;
	s8 =	sadd.s32 $0x5C00, s9;
	s9 =	sadd.s32 $0x25C00, s9;
	s12 =	sadd.s32 $0x45C00, s0  }
.LBB2_1:
0x12: {  	[tilespmem:s2], [sflag:$0x1] =	stream.strided.gather [hbm4b:s3+s14], $0x2000, s15, s14, $0x38;
	[tilespmem:$0x16780] =	vst v63  }
0x13: {  	_ =	swait.ge [sflag:s16], $0x2000  }
0x14: {  	[sflag:s16] =	ssyncset.done $0x0  }
0x15: {  	[sflag:s16] =	ssyncadd.s32 $0xFFFFE000  }
0x16: {  	[tilespmem:s17], [sflag:$0x1] =	stream.strided.gather [hbm4b:s4+s14], $0x2000, s15, s14, $0x38;
	[tilespmem:$0x16780] =	vst v63  }
0x17: {  	_ =	swait.ge [sflag:s16], $0x2000  }
0x18: {  	[sflag:s16] =	ssyncset.done $0x0  }
0x19: {  	[sflag:s16] =	ssyncadd.s32 $0xFFFFE000  }
0x1a: {  	[tilespmem:s18], [sflag:$0x1] =	stream.strided.gather [hbm4b:s5+s14], $0x2000, s15, s14, $0x38;
	[tilespmem:$0x16780] =	vst v63  }
0x1b: {  	_ =	swait.ge [sflag:s16], $0x2000  }
0x1c: {  	[sflag:s16] =	ssyncset.done $0x0  }
0x1d: {  	s0 =	simm.s32 $0x6000;
	[sflag:s16] =	ssyncadd.s32 $0xFFFFE000  }
0x1e: {  	[tilespmem:s0], [sflag:$0x1] =	stream.strided.gather [hbm4b:s6+s14], $0x100, s15, s14, $0x38;
	[tilespmem:$0x16780] =	vst v63  }
0x1f: {  	_ =	swait.ge [sflag:s16], $0x100  }
0x20: {  	[sflag:s16] =	ssyncset.done $0x0  }
0x21: {  	s0 =	simm.s32 $0x0;
	[sflag:s16] =	ssyncadd.s32 $0xFFFFFF00  }
0x22: {  	v3 =	vld [tilespmem:s0+$0x6000];
	_ =	sdelay $0x7  }
0x23: {  	v4 =	vld.idx.msk [tilespmem:v3+s2+$0x0], $0xffff;
	_ =	sdelay $0x4  }
0x24: {  	[tilespmem:s0+$0x6100] =	vst v4  }
0x25: {  	v4 =	vld.idx.msk [tilespmem:v3+s17+$0x0], $0xffff;
	_ =	sdelay $0x3  }
0x26: {  	s28 =	simm.s32 $0x10;
	s1 =	simm.s32 $0x80  }
.LBB2_2:
0x27: {  	p0 =	sne.s32 s1, $0x3C0;
	v5 =	vld [tilespmem:s28+$0x6000];
	[tilespmem:s0+$0x6280] =	vst v4  }
0x28: {  	v4 =	vld.idx.msk [tilespmem:v3+s18+$0x0], $0xffff;
	_ =	sdelay $0x3  }
0x29: {  	v3 =	vmov v5;
	_ =	sdelay $0x1  }
0x2a: {  	s26 =	simm.s32 $0x0;
	[tilespmem:s0+$0x6400] =	vst v4;
	s0 =	smov.u32 s28  }
0x2b: {  	v4 =	vld.idx.msk [tilespmem:v5+s26+$0x0], $0xffff;
	_ =	sdelay $0x5  }
0x2c: {  	[tilespmem:s0+$0x6100] =	vst v4  }
0x2d: {  	v4 =	vld.idx.msk [tilespmem:v5+s17+$0x0], $0xffff  }
.Ltmp0:
0x2e: {  	(pc) =	sbr.rel @p0 .LBB2_2-.Ltmp0, $2  }
0x2f: {  	_ =	sdelay $0x2  }
0x30: {  	s28 =	sshra.s32 s1, $0x2;
	s1 =	sadd.s32 $0x40, s1  }
0x31: {  	_ =	sdelay $0x1  }
0x32: {  	v5 =	vld [tilespmem:s28+$0x6000]  }
0x33: {  	[tilespmem:s0+$0x6280] =	vst v4  }
0x34: {  	v3 =	vld.idx.msk [tilespmem:v3+s18+$0x0], $0xffff;
	_ =	sdelay $0x4  }
0x35: {  	[tilespmem:s0+$0x6400] =	vst v3  }
0x36: {  	v3 =	vld.idx.msk [tilespmem:v5+s26+$0x0], $0xffff;
	_ =	sdelay $0x4  }
0x37: {  	[tilespmem:s28+$0x6100] =	vst v3  }
0x38: {  	v3 =	vld.idx.msk [tilespmem:v5+s17+$0x0], $0xffff;
	_ =	sdelay $0x4  }
0x39: {  	[tilespmem:s28+$0x6280] =	vst v3  }
0x3a: {  	v3 =	vld.idx.msk [tilespmem:v5+s18+$0x0], $0xffff;
	_ =	sdelay $0x4  }
0x3b: {  	[tilespmem:s28+$0x6400] =	vst v3  }
.LBB2_4:
0x3c: {  	v3 =	vld.msk [tilespmem:s26+$0x6100 ss:$0x0], $0xffff;
	p0 =	por $0x1, $0x1;
	s30 =	simm.s32 $0x2040  }
0x3d: {  	v4 =	vld.msk [tilespmem:s26+$0x6280 ss:$0x0], $0xffff;
	s31 =	simm.s32 $0x40;
	s0 =	simm.s32 $0x4040;
	p1 =	por $0x1, $0x1  }
0x3e: {  	v5 =	vld.msk [tilespmem:s26+$0x6400 ss:$0x0], $0xffff;
	s28 =	simm.s32 $0x0;
	s29 =	simm.s32 $0x0;
	s1 =	simm.s32 $0x0  }
.LBB2_5:
0x3f: {  	v6 =	vld [tilespmem:s31+$0xFFFFFFC0]  }
0x40: {  	v7 =	vld [tilespmem:s30+$0xFFFFFFC0]  }
0x41: {  	v8 =	vld [tilespmem:s0+$0xFFFFFFC0]  }
0x42: {  	v9 =	vld [tilespmem:s31+$0xFFFFFFD0]  }
0x43: {  	v10 =	vld [tilespmem:s30+$0xFFFFFFD0]  }
0x44: {  	v11 =	vld [tilespmem:s0+$0xFFFFFFD0]  }
0x45: {  	v12 =	vld [tilespmem:s31+$0xFFFFFFE0]  }
0x46: {  	v14 =	vld [tilespmem:s0+$0xFFFFFFE0]  }
0x47: {  	v15 =	vld [tilespmem:s31+$0xFFFFFFF0]  }
0x48: {  	v16 =	vld [tilespmem:s30+$0xFFFFFFF0]  }
0x49: {  	v42 =	vld [tilespmem:s0+$0xFFFFFFF0]  }
0x4a: {  	v17 =	vld [tilespmem:s31+$0x0]  }
0x4b: {  	v18 =	vld [tilespmem:s31+$0x10];
	v6 =	vsub.f32 v6, v3  }
0x4c: {  	v47 =	vld [tilespmem:s30+$0x10];
	v7 =	vsub.f32 v7, v4;
	v8 =	vsub.f32 v8, v5  }
0x4d: {  	v51 =	vld [tilespmem:s0+$0x10];
	v9 =	vsub.f32 v9, v3;
	v10 =	vsub.f32 v10, v4  }
0x4e: {  	v52 =	vld [tilespmem:s31+$0x20];
	v41 =	vsub.f32 v11, v5;
	v12 =	vsub.f32 v12, v3  }
0x4f: {  	v19 =	vld [tilespmem:s30+$0x20];
	v15 =	vsub.f32 v15, v3;
	v16 =	vsub.f32 v16, v4  }
0x50: {  	v20 =	vld [tilespmem:s31+$0x30];
	v46 =	vsub.f32 v14, v5;
	v50 =	vsub.f32 v17, v3  }
0x51: {  	v11 =	vsub.f32 v42, v5;
	v18 =	vsub.f32 v18, v3  }
0x52: {  	v45 =	vld [tilespmem:s0+$0x0];
	v14 =	vsub.f32 v47, v4;
	v57 =	vsub.f32 v51, v5  }
0x53: {  	v13 =	vld [tilespmem:s30+$0xFFFFFFE0];
	v58 =	vsub.f32 v52, v3;
	v6 =	vmul.f32 v6, v6;
	v7 =	vmul.f32 v7, v7  }
0x54: {  	v43 =	vld [tilespmem:s30+$0x0];
	v59 =	vsub.f32 v19, v4;
	v9 =	vmul.f32 v9, v9;
	v10 =	vmul.f32 v10, v10  }
0x55: {  	v60 =	vsub.f32 v20, v3;
	v44 =	vmul.f32 v12, v12;
	v48 =	vmul.f32 v15, v15  }
0x56: {  	v55 =	vld [tilespmem:s0+$0x20];
	v49 =	vmul.f32 v16, v16;
	v6 =	vadd.f32 v7, v6;
	v7 =	vmul.f32 v8, v8  }
0x57: {  	v12 =	vsub.f32 v45, v5;
	v16 =	vmul.f32 v50, v50;
	v11 =	vmul.f32 v11, v11  }
0x58: {  	v54 =	vmul.f32 v18, v18;
	v14 =	vmul.f32 v14, v14;
	v6 =	vadd.f32 v7, v6  }
0x59: {  	v53 =	vld [tilespmem:s30+$0x30];
	v15 =	vmul.f32 v59, v59;
	v7 =	vsub.f32 v13, v4;
	v13 =	vsub.f32 v43, v4  }
0x5a: {  	v17 =	vmul.f32 v60, v60;
	v9 =	vadd.f32 v10, v9;
	v8 =	vmul.f32 v41, v41  }
0x5b: {  	v18 =	vsub.f32 v55, v5;
	v7 =	vmul.f32 v7, v7;
	v13 =	vmul.f32 v13, v13  }
0x5c: {  	v56 =	vld [tilespmem:s0+$0x30];
	v10 =	vadd.f32 v49, v48;
	v12 =	vmul.f32 v12, v12;
	v8 =	vadd.f32 v8, v9  }
0x5d: {  	v9 =	vmul.f32 v46, v46;
	v7 =	vadd.f32 v7, v44;
	v13 =	vadd.f32 v13, v16  }
0x5e: {  	v62 =	vmul.f32 v18, v18;
	v10 =	vadd.f32 v11, v10;
	v16 =	vsub.f32 v53, v4  }
0x5f: {  	vm15 =	vlt.f32 @p1 v6, $6.399999860e-01;
	v7 =	vadd.f32 v9, v7;
	v11 =	vadd.f32 v12, v13  }
0x60: {  	v9 =	vadd.f32 v14, v54;
	v13 =	vmul.f32 v57, v57;
	v14 =	vmul.f32 v58, v58  }
0x61: {  	vm14 =	vlt.f32 @p1 v8, $6.399999860e-01;
	v12 =	vsub.f32 v56, v5;
	v16 =	vmul.f32 v16, v16  }
0x62: {  	vm12 =	vlt.f32 @p1 v10, $6.399999860e-01;
	v9 =	vadd.f32 v13, v9;
	v61 =	vadd.f32 v15, v14  }
0x63: {  	v63 =	vadd.f32 v16, v17;
	v12 =	vmul.f32 v12, v12;
	v14 =	vmpcnt.ones.xlane @p1 vm15  }
0x64: {  	v15 =	vmpcnt.ones.xlane @p1 vm14;
	vm13 =	vlt.f32 @p1 v7, $6.399999860e-01;
	vm11 =	vlt.f32 @p1 v11, $6.399999860e-01  }
0x65: {  	v13 =	vadd.f32 v62, v61;
	(v2sf) =	vpush @p1 v14, $0x0;
	v14 =	vmpcnt.ones.xlane @p1 vm13  }
0x66: {  	v12 =	vadd.f32 v12, v63;
	(v2sf) =	vpush @p1 v15, $0x0;
	v15 =	vmpcnt.ones.xlane @p1 vm12  }
0x67: {  	vm10 =	vlt.f32 @p1 v9, $6.399999860e-01;
	(v2sf) =	vpush @p1 v14, $0x0;
	v14 =	vmpcnt.ones.xlane @p1 vm11  }
0x68: {  	vm9 =	vlt.f32 @p1 v13, $6.399999860e-01;
	(v2sf) =	vpush @p1 v15, $0x0;
	v15 =	vmpcnt.ones.xlane @p1 vm10  }
0x69: {  	vm4 =	vlt.f32 @p1 v12, $6.399999860e-01;
	(v2sf) =	vpush @p1 v14, $0x0;
	v14 =	vmpcnt.ones.xlane @p1 vm9  }
0x6a: {  	vm5 =	vlt.f32 @p0 v6, $2.559999940e+00;
	(v2sf) =	vpush @p1 v15, $0x0;
	v15 =	vmpcnt.ones.xlane @p1 vm4  }
0x6b: {  	vm6 =	vlt.f32 @p0 v8, $2.559999940e+00;
	v6 =	vmpcnt.ones.xlane @p0 vm5;
	(v2sf) =	vpush @p1 v14, $0x0  }
0x6c: {  	v8 =	vmpcnt.ones.xlane @p0 vm6;
	vm7 =	vlt.f32 @p0 v7, $2.559999940e+00;
	(v2sf) =	vpush @p1 v15, $0x0  }
0x6d: {  	vm8 =	vlt.f32 @p0 v10, $2.559999940e+00;
	(v2sf) =	vpush @p0 v6, $0x0;
	v6 =	vmpcnt.ones.xlane @p0 vm7  }
0x6e: {  	v7 =	vmpcnt.ones.xlane @p0 vm8;
	vm3 =	vlt.f32 @p0 v11, $2.559999940e+00;
	(v2sf) =	vpush @p0 v8, $0x0  }
0x6f: {  	vm2 =	vlt.f32 @p0 v9, $2.559999940e+00;
	(v2sf) =	vpush @p0 v6, $0x0;
	v6 =	vmpcnt.ones.xlane @p0 vm3  }
0x70: {  	vm0 =	vlt.f32 @p0 v13, $2.559999940e+00;
	(v2sf) =	vpush @p0 v7, $0x0;
	v7 =	vmpcnt.ones.xlane @p0 vm2  }
0x71: {  	vm1 =	vlt.f32 @p0 v12, $2.559999940e+00;
	(v2sf) =	vpush @p0 v6, $0x0;
	v6 =	vmpcnt.ones.xlane @p0 vm0  }
0x72: {  	(v2sf) =	vpush @p0 v7, $0x0;
	v7 =	vmpcnt.ones.xlane @p0 vm1  }
0x73: {  	(v2sf) =	vpush @p0 v6, $0x0  }
0x74: {  	s19 =	spop @p1 (v2sf);
	(v2sf) =	vpush @p0 v7, $0x0  }
0x75: {  	s21 =	sadd.s32 $0x10, s1;
	v6 =	vor.u32 s1, v0;
	s20 =	spop @p1 (v2sf)  }
0x76: {  	[tilespmem:s29+$0x16580] =	vst.msk @p1 vm15, v6;
	v7 =	vor.u32 s21, v0;
	s21 =	sadd.s32 $0x20, s1;
	s19 =	sadd.s32 @p1 s29, s19;
	s22 =	spop @p1 (v2sf)  }
0x77: {  	v8 =	vor.u32 s21, v0;
	s21 =	sadd.s32 $0x30, s1;
	[tilespmem:s19+$0x16580] =	vst.msk @p1 vm14, v7;
	s19 =	sadd.s32 @p1 s19, s20;
	s23 =	spop @p1 (v2sf)  }
0x78: {  	v9 =	vor.u32 s21, v0;
	s21 =	sadd.s32 $0x40, s1;
	[tilespmem:s19+$0x16580] =	vst.msk @p1 vm13, v8;
	s19 =	sadd.s32 @p1 s19, s22;
	s20 =	spop @p1 (v2sf)  }
0x79: {  	v10 =	vor.u32 s21, v0;
	s21 =	sadd.s32 $0x50, s1;
	[tilespmem:s19+$0x16580] =	vst.msk @p1 vm12, v9;
	s19 =	sadd.s32 @p1 s19, s23;
	s22 =	spop @p1 (v2sf)  }
0x7a: {  	v11 =	vor.u32 s21, v0;
	s21 =	sadd.s32 $0x60, s1;
	[tilespmem:s19+$0x16580] =	vst.msk @p1 vm11, v10;
	s19 =	sadd.s32 @p1 s19, s20;
	s23 =	spop @p1 (v2sf)  }
0x7b: {  	s1 =	sadd.s32 $0x70, s1;
	v12 =	vor.u32 s21, v0;
	[tilespmem:s19+$0x16580] =	vst.msk @p1 vm10, v11;
	s19 =	sadd.s32 @p1 s19, s22;
	s20 =	spop @p1 (v2sf)  }
0x7c: {  	v13 =	vor.u32 s1, v0;
	[tilespmem:s19+$0x16580] =	vst.msk @p1 vm9, v12;
	s19 =	sadd.s32 @p1 s19, s23;
	s21 =	spop @p0 (v2sf)  }
0x7d: {  	[tilespmem:s19+$0x16580] =	vst.msk @p1 vm4, v13;
	s22 =	spop @p0 (v2sf);
	s21 =	sadd.s32 @p0 s28, s21  }
0x7e: {  	[tilespmem:s28+$0x16680] =	vst.msk @p0 vm5, v6;
	s23 =	spop @p0 (v2sf);
	s22 =	sadd.s32 @p0 s21, s22  }
0x7f: {  	[tilespmem:s21+$0x16680] =	vst.msk @p0 vm6, v7;
	s21 =	spop @p0 (v2sf);
	s23 =	sadd.s32 @p0 s22, s23  }
0x80: {  	[tilespmem:s22+$0x16680] =	vst.msk @p0 vm7, v8;
	s22 =	spop @p0 (v2sf);
	s21 =	sadd.s32 @p0 s23, s21  }
0x81: {  	[smem:$0x0] =	sst s29;
	[tilespmem:s23+$0x16680] =	vst.msk @p0 vm8, v9;
	s23 =	spop @p0 (v2sf);
	s22 =	sadd.s32 @p0 s21, s22  }
0x82: {  	[smem:$0x1] =	sst s28;
	[tilespmem:s21+$0x16680] =	vst.msk @p0 vm3, v10;
	s21 =	spop @p0 (v2sf);
	s23 =	sadd.s32 @p0 s22, s23  }
0x83: {  	s19 =	sadd.s32 @p1 s19, s20;
	s20 =	sadd.s32 @p0 s23, s21;
	s21 =	spop @p0 (v2sf)  }
0x84: {  	[smem:$0x0] =	sst @p1 s19;
	s29 =	smov.u32 @p1 s19;
	[tilespmem:s22+$0x16680] =	vst.msk @p0 vm2, v11;
	s19 =	sadd.s32 @p0 s20, s21  }
0x85: {  	p1 =	slt.s32 s29, $0x10;
	[tilespmem:s23+$0x16680] =	vst.msk @p0 vm0, v12;
	s28 =	smov.u32 @p0 s19  }
0x86: {  	s23 =	sadd.s32 $0xFFFFFF90, s1;
	[tilespmem:s20+$0x16680] =	vst.msk @p0 vm1, v13;
	[smem:$0x1] =	sst @p0 s19;
	p0 =	slt.s32 s28, $0x20  }
0x87: {  	p2 =	sgt.u32 s23, $0x1F7F;
	p3 =	por p1, p0  }
0x88: {  	p2 =	por p2, !p3  }
.Ltmp1:
0x89: {  	_ = 	snop;
	(pc) =	sbr.rel @!p2 .LBB2_5-.Ltmp1, $3  }
0x8a: {  	_ =	sdelay $0x1  }
0x8b: {  	s30 =	sadd.s32 $0x80, s30  }
0x8c: {  	s31 =	sadd.s32 $0x80, s31;
	s0 =	sadd.s32 $0x80, s0;
	s1 =	sadd.s32 $0x10, s1  }
0x8d: {  	v3 =	vld [tilespmem:$0x16580]  }
0x8e: {  	v4 =	vld [tilespmem:$0x16680];
	_ =	sdelay $0x3  }
0x8f: {  	(v2sf) =	vpush v3, $0x0  }
0x90: {  	(v2sf) =	vpush v4, $0x0;
	_ =	sdelay $0xc  }
0x91: {  	p0 =	sgt.s32 s29, $0x0  }
0x92: {  	v5 =	vld [tilespmem:$0x16690];
	s31 =	sshll.u32 s26, $0x7;
	s26 =	sadd.s32 $0x1, s26;
	s0 =	spop (v2sf)  }
0x93: {  	s0 =	simm.s32 @!p0 $0x0;
	p0 =	sgt.s32 s28, $0x0;
	s1 =	spop (v2sf)  }
0x94: {  	v6 =	vmov s29;
	s1 =	simm.s32 @!p0 $0x0;
	p0 =	sne.s32 s26, $0x100  }
.Ltmp2:
0x95: {  	v62 =	vmov s28;
	vm0 =	vgt.s32 v6, v0;
	v3 =	vadd.s32 v1, v3;
	s0 =	sadd.s32 s7, s0;
	(pc) =	sbr.rel @p0 .LBB2_4-.Ltmp2, $4  }
0x96: {  	vm14 =	vgt.s32 v62, v0;
	v4 =	vadd.s32 v1, v4;
	s1 =	sadd.s32 s7, s1;
	v3 =	vnsel vm0, s0, v3  }
0x97: {  	vm15 =	vgt.s32 v62, v2;
	v63 =	vadd.s32 v1, v5;
	[tilespmem:s31+$0x6580] =	vst v3;
	v3 =	vnsel vm14, s1, v4  }
0x98: {  	[tilespmem:s31+$0xE580] =	vst v3;
	v3 =	vnsel vm15, s1, v63  }
0x99: {  	[tilespmem:s31+$0xE590] =	vst v3  }
0x9a: {  	s0 =	simm.s32 $0x6580  }
0x9b: {  	[hbm4b:s8+s2] =	stream.linear.scatter [tilespmem:s0], [sflag:$0x1], $0x8000, $0x38;
	[tilespmem:$0x16780] =	vst v63  }
0x9c: {  	_ =	swait.ge [sflag:s16], $0x8000  }
0x9d: {  	[sflag:s16] =	ssyncset.done $0x0  }
0x9e: {  	s29 =	simm.s32 $0xE580;
	[sflag:s16] =	ssyncadd.s32 $0xFFFF8000  }
0x9f: {  	[hbm4b:s9+s2] =	stream.linear.scatter [tilespmem:s29], [sflag:$0x1], $0x8000, $0x38;
	[tilespmem:$0x16780] =	vst v63  }
0xa0: {  	_ =	swait.ge [sflag:s16], $0x8000  }
0xa1: {  	[sflag:s16] =	ssyncset.done $0x0  }
0xa2: {  	s30 =	simm.s32 $0x6100;
	[sflag:s16] =	ssyncadd.s32 $0xFFFF8000  }
0xa3: {  	[hbm4b:s10+s14] =	stream.strided.scatter [tilespmem:s30], [sflag:$0x1], $0x100, s15, s14, $0x38;
	[tilespmem:$0x16780] =	vst v63  }
0xa4: {  	_ =	swait.ge [sflag:s16], $0x100  }
0xa5: {  	[sflag:s16] =	ssyncset.done $0x0  }
0xa6: {  	s31 =	simm.s32 $0x6280;
	[sflag:s16] =	ssyncadd.s32 $0xFFFFFF00  }
0xa7: {  	[hbm4b:s11+s14] =	stream.strided.scatter [tilespmem:s31], [sflag:$0x1], $0x100, s15, s14, $0x38;
	[tilespmem:$0x16780] =	vst v63  }
0xa8: {  	s25 =	sadd.s32 $0x1, s25;
	_ =	swait.ge [sflag:s16], $0x100  }
0xa9: {  	p0 =	sne.s32 s25, s13;
	[sflag:s16] =	ssyncset.done $0x0  }
.Ltmp3:
0xaa: {  	[sflag:s16] =	ssyncadd.s32 $0xFFFFFF00;
	(pc) =	sbr.rel @p0 .LBB2_1-.Ltmp3, $4  }
0xab: {  	[hbm4b:s12+s14] =	stream.strided.scatter [tilespmem:s24], [sflag:$0x1], $0x100, s15, s14, $0x38;
	[tilespmem:$0x16780] =	vst v63  }
0xac: {  	_ =	swait.ge [sflag:s16], $0x100  }
0xad: {  	[sflag:s16] =	ssyncset.done $0x0  }
0xae: {  	[sflag:s16] =	ssyncadd.s32 $0xFFFFFF00  }
0xaf: {  	_ =	sfence.sel $0x180000  }
0xb0: {  	[bflag:$0x0] =	sbarrier.arrive $0xFFFF  }
0xb1: {  	_ =	strace $0x90000047  }
0xb2: {  	s0 =	stileid.u32;
	[bflag:$0x2] =	sbarrier.arrive $0xFFFF  }
0xb3: {  	p0 =	sne.s32 s0, $0x0;
	s0 =	rddreg [dreg:$0x4]  }
0xb4: {  	s0 =	sadd.s32 @!p0 $0x100000, s0  }
0xb5: {  	[sflag:s0] =	ssyncadd.tile.s32 @!p0 $0x1;
	_ =	shalt  }
.Lfunc_end2:
_tile_overlayer_lowered:
.L_overlay_start_2:
0xb6: {  	(tag) =	ssettag $0x2  }
0xb7: {  	s0 =	rddreg [dreg:$0x0];
	s2 =	stileid.u32  }
0xb8: {  	s1 =	rddreg [dreg:$0x1];
	p0 =	sne.s32 s2, $0x0  }
0xb9: {  	s3 =	rddreg [dreg:$0x2];
	[bflag:$0x3] =	sbarrier.arrive $0xFFFF;
	s2 =	simm.s32 @!p0 $0x1C01  }
0xba: {  	[timem:s3], [sflag:s2] =	dma.local @!p0 [hbm:s0], s1  }
0xbb: {  	s0 =	simm.s32 @!p0 $0x1  }
0xbc: {  	_ =	swait.ge @!p0 [sflag:s0], s1  }
0xbd: {  	s1 =	ssub.s32 @!p0 $0x0, s1;
	[sflag:s0] =	ssyncset.done @!p0 $0x0  }
0xbe: {  	[sflag:s0] =	ssyncadd.s32 @!p0 s1  }
0xbf: {  	[bflag:$0x3] =	sbarrier.arrive $0xFFFF  }
0xc0: {  	_ =	shalt  }

</sc_bundles>
